<compile_context>
chip_gen: v7x
topology: tpu7x:2x2x1
jax: 0.10.2.dev20260603
libtpu: 0.0.44.dev20260713+nightly
codegen_flags: <defaults>
</compile_context>

<pallas_src>
import functools

import jax
import jax.numpy as jnp
from jax import lax
from jax.experimental import pallas as pl
from jax.experimental.pallas import tpu as pltpu
from jax.experimental.pallas import tpu_sc as plsc

D_EMBED = 512
BATCH = 16384
NUM_CORES = 2
NUM_SUBCORES = 16
NUM_WORKERS = NUM_CORES * NUM_SUBCORES
B_PER_W = BATCH // NUM_WORKERS
CHUNK_SIZES = (112, 112, 112, 112, 64)
CHUNK_STARTS = (0, 112, 224, 336, 448)
CHUNK_MAX = 112
NBUF = 2
NCHUNK = len(CHUNK_SIZES)

_mesh = plsc.VectorSubcoreMesh(core_axis_name="c", subcore_axis_name="s")


@functools.partial(
    pl.kernel,
    mesh=_mesh,
    out_type=jax.ShapeDtypeStruct((BATCH, D_EMBED), jnp.float32),
    scratch_types=[
        pltpu.VMEM((B_PER_W,), jnp.int32),
        pltpu.VMEM((NBUF, CHUNK_MAX, D_EMBED), jnp.float32),
        pltpu.SemaphoreType.DMA,
        pltpu.SemaphoreType.DMA,
        pltpu.SemaphoreType.DMA,
        pltpu.SemaphoreType.DMA,
    ],
)
def _sc_gather(table_hbm, idx_hbm, out_hbm, idx_v, rows_v,
               g0, g1, w0, w1):
    wid = lax.axis_index("s") * NUM_CORES + lax.axis_index("c")
    base = wid * B_PER_W
    gsems = (g0, g1)
    wsems = (w0, w1)

    pltpu.sync_copy(idx_hbm.at[pl.ds(base, B_PER_W)], idx_v)

    def gather(i):
        b = i % NBUF
        return pltpu.async_copy(
            table_hbm.at[idx_v.at[pl.ds(CHUNK_STARTS[i], CHUNK_SIZES[i])]],
            rows_v.at[b, pl.ds(0, CHUNK_SIZES[i])],
            gsems[b],
        )

    def write(i):
        b = i % NBUF
        return pltpu.async_copy(
            rows_v.at[b, pl.ds(0, CHUNK_SIZES[i])],
            out_hbm.at[pl.ds(base + CHUNK_STARTS[i], CHUNK_SIZES[i])],
            wsems[b],
        )

    gh = {}
    wh = {}
    gh[0] = gather(0)
    for i in range(NCHUNK):
        if i + 1 < NCHUNK:
            if i - 1 >= 0:
                wh[i - 1].wait()
            gh[i + 1] = gather(i + 1)
        gh[i].wait()
        wh[i] = write(i)
    wh[NCHUNK - 2].wait()
    wh[NCHUNK - 1].wait()


def kernel(t, embedding_table):
    return _sc_gather(embedding_table, t.astype(jnp.int32))

# --- scband reference (transcript-rebuilt; emitter-appended) ---
"""Pipeline reference for scband-sinusoidal-timestep-embedding-66494683676900 (READ-ONLY COPY).

The authoritative reference and input builder live on the scoring server;
editing this copy changes nothing except your own understanding.
"""

import jax, jax.numpy as jnp
import numpy as np
import math

D_EMBED = 512
MAX_TIMESTEPS = 1000
MAX_PERIOD = 10000
BATCH = 16384


def _build_embedding_table():
    half_dim = D_EMBED // 2
    freqs = jnp.exp(-math.log(MAX_PERIOD) * jnp.arange(half_dim, dtype=jnp.float32) / half_dim)
    timesteps = jnp.arange(MAX_TIMESTEPS, dtype=jnp.float32)
    angles = timesteps[:, None] * freqs[None, :]
    embeddings = jnp.zeros((MAX_TIMESTEPS, D_EMBED), dtype=jnp.float32)
    embeddings = embeddings.at[:, 0::2].set(jnp.sin(angles))
    embeddings = embeddings.at[:, 1::2].set(jnp.cos(angles))
    return embeddings


def setup_inputs(seed: int = 0) -> dict:
    key = jax.random.key(seed)
    t = jax.random.randint(key, (BATCH,), 0, MAX_TIMESTEPS, dtype=jnp.int64 if jax.config.jax_enable_x64 else jnp.int32)
    embedding_table = _build_embedding_table()
    return {"t": t, "embedding_table": embedding_table}


def reference(t, embedding_table):
    # Faithful translation of SinusoidalTimestepEmbedding.forward: a table gather
    return jnp.take(embedding_table, t, axis=0)

if __name__ == "__main__":
    import jax
    _d = setup_inputs()
    print(jax.jit(kernel)(*tuple(_d.values())))

</pallas_src>

<mosaic_0001>
#map = affine_map<(d0, d1) -> (0, 0)>
#map1 = affine_map<(d0, d1) -> (0)>
module attributes {stable_mosaic.version = 14 : i64} {
  func.func @_sc_gather(%arg0: i32, %arg1: i32, %arg2: memref<1000x512xf32, #tpu.memory_space<hbm>>, %arg3: memref<16384xi32, #tpu.memory_space<hbm>>, %arg4: memref<16384x512xf32, #tpu.memory_space<hbm>>, %arg5: memref<512xi32, #tpu.memory_space<vmem>>, %arg6: memref<2x112x512xf32, #tpu.memory_space<vmem>>, %arg7: memref<!tpu.dma_semaphore, #tpu.memory_space<semaphore_mem>>, %arg8: memref<!tpu.dma_semaphore, #tpu.memory_space<semaphore_mem>>, %arg9: memref<!tpu.dma_semaphore, #tpu.memory_space<semaphore_mem>>, %arg10: memref<!tpu.dma_semaphore, #tpu.memory_space<semaphore_mem>>) attributes {dimension_semantics = [#tpu.dimension_semantics<core_parallel>, #tpu.dimension_semantics<subcore_parallel>], iteration_bounds = array<i64: 2, 16>, scalar_prefetch = 0 : i64, scratch_operands = 6 : i64, tpu.core_type = #tpu.core_type<sc_vector_subcore>, window_params = [{transform_indices = #map}, {transform_indices = #map1}, {transform_indices = #map}]} {
    %mul3A = arith.constant 2 : i32
    %mul3A_0 = arith.muli %arg1, %mul3A : i32
    %add3A = arith.addi %mul3A_0, %arg0 : i32
    %mul3A_1 = arith.constant 512 : i32
    %mul3A_2 = arith.muli %add3A, %mul3A_1 : i32
    "tpu.region"() ({
      %run_scoped3A = tpu.sem_alloc : memref<!tpu.dma_semaphore, #tpu.memory_space<semaphore_mem>>
      %dma_start3A_241 = tpu.memref_slice %arg3[%mul3A_2] : memref<16384xi32, #tpu.memory_space<hbm>> -> memref<512xi32, #tpu.memory_space<hbm>>
      %dma_start3A_242 = tpu.memref_slice %arg3[%mul3A_2] : memref<16384xi32, #tpu.memory_space<hbm>> -> memref<512xi32, #tpu.memory_space<hbm>>
      tpu.enqueue_dma source(%dma_start3A_242 : memref<512xi32, #tpu.memory_space<hbm>>) target(%arg5 : memref<512xi32, #tpu.memory_space<vmem>>) target_semaphore(%run_scoped3A : memref<!tpu.dma_semaphore, #tpu.memory_space<semaphore_mem>>)
      %dma_wait3A_243 = tpu.memref_slice %arg3[%mul3A_2] : memref<16384xi32, #tpu.memory_space<hbm>> -> memref<512xi32, #tpu.memory_space<hbm>>
      %dma_wait3A_244 = tpu.memref_slice %arg3[%mul3A_2] : memref<16384xi32, #tpu.memory_space<hbm>> -> memref<512xi32, #tpu.memory_space<hbm>>
      tpu.wait_dma2 semaphore(%run_scoped3A : memref<!tpu.dma_semaphore, #tpu.memory_space<semaphore_mem>>) src(%dma_wait3A_244 : memref<512xi32, #tpu.memory_space<hbm>>) dst(%arg5 : memref<512xi32, #tpu.memory_space<vmem>>)
      tpu.yield
    }) : () -> ()
    %dma_start3A = arith.constant 0 : i32
    %dma_start3A_3 = arith.constant 0 : i32
    %dma_start3A_4 = arith.constant 0 : i32
    %dma_start3A_5 = tpu.memref_slice %arg6[%dma_start3A, %dma_start3A_3, %dma_start3A_4] : memref<2x112x512xf32, #tpu.memory_space<vmem>> -> memref<1x112x512xf32, #tpu.memory_space<vmem>>
    %dma_start3A_6 = tpu.memref_squeeze %dma_start3A_5 : memref<1x112x512xf32, #tpu.memory_space<vmem>> -> memref<112x512xf32, #tpu.memory_space<vmem>>
    %dma_start3A_7 = arith.constant 0 : i32
    %dma_start3A_8 = tpu.memref_slice %arg5[%dma_start3A_7] : memref<512xi32, #tpu.memory_space<vmem>> -> memref<112xi32, #tpu.memory_space<vmem>>
    %dma_start3A_9 = arith.constant 0 : i32
    %dma_start3A_10 = arith.constant 0 : i32
    %dma_start3A_11 = tpu.memref_slice %arg2[%dma_start3A_9, %dma_start3A_10] : memref<1000x512xf32, #tpu.memory_space<hbm>> -> memref<1000x512xf32, #tpu.memory_space<hbm>>
    tpu.enqueue_indirect_dma source(%dma_start3A_11 : memref<1000x512xf32, #tpu.memory_space<hbm>>) target(%dma_start3A_6 : memref<112x512xf32, #tpu.memory_space<vmem>>) offsets(%dma_start3A_8 : memref<112xi32, #tpu.memory_space<vmem>>) semaphore(%arg7 : memref<!tpu.dma_semaphore, #tpu.memory_space<semaphore_mem>>)
    %dma_start3A_12 = arith.constant 1 : i32
    %dma_start3A_13 = arith.constant 0 : i32
    %dma_start3A_14 = arith.constant 0 : i32
    %dma_start3A_15 = tpu.memref_slice %arg6[%dma_start3A_12, %dma_start3A_13, %dma_start3A_14] : memref<2x112x512xf32, #tpu.memory_space<vmem>> -> memref<1x112x512xf32, #tpu.memory_space<vmem>>
    %dma_start3A_16 = tpu.memref_squeeze %dma_start3A_15 : memref<1x112x512xf32, #tpu.memory_space<vmem>> -> memref<112x512xf32, #tpu.memory_space<vmem>>
    %dma_start3A_17 = arith.constant 112 : i32
    %dma_start3A_18 = tpu.memref_slice %arg5[%dma_start3A_17] : memref<512xi32, #tpu.memory_space<vmem>> -> memref<112xi32, #tpu.memory_space<vmem>>
    %dma_start3A_19 = arith.constant 0 : i32
    %dma_start3A_20 = arith.constant 0 : i32
    %dma_start3A_21 = tpu.memref_slice %arg2[%dma_start3A_19, %dma_start3A_20] : memref<1000x512xf32, #tpu.memory_space<hbm>> -> memref<1000x512xf32, #tpu.memory_space<hbm>>
    tpu.enqueue_indirect_dma source(%dma_start3A_21 : memref<1000x512xf32, #tpu.memory_space<hbm>>) target(%dma_start3A_16 : memref<112x512xf32, #tpu.memory_space<vmem>>) offsets(%dma_start3A_18 : memref<112xi32, #tpu.memory_space<vmem>>) semaphore(%arg8 : memref<!tpu.dma_semaphore, #tpu.memory_space<semaphore_mem>>)
    %dma_wait3A = arith.constant 0 : i32
    %dma_wait3A_22 = arith.constant 0 : i32
    %dma_wait3A_23 = arith.constant 0 : i32
    %dma_wait3A_24 = tpu.memref_slice %arg6[%dma_wait3A, %dma_wait3A_22, %dma_wait3A_23] : memref<2x112x512xf32, #tpu.memory_space<vmem>> -> memref<1x112x512xf32, #tpu.memory_space<vmem>>
    %dma_wait3A_25 = tpu.memref_squeeze %dma_wait3A_24 : memref<1x112x512xf32, #tpu.memory_space<vmem>> -> memref<112x512xf32, #tpu.memory_space<vmem>>
    %dma_wait3A_26 = arith.constant 0 : i32
    %dma_wait3A_27 = tpu.memref_slice %arg5[%dma_wait3A_26] : memref<512xi32, #tpu.memory_space<vmem>> -> memref<112xi32, #tpu.memory_space<vmem>>
    %dma_wait3A_28 = arith.constant 0 : i32
    %dma_wait3A_29 = arith.constant 0 : i32
    %dma_wait3A_30 = tpu.memref_slice %arg2[%dma_wait3A_28, %dma_wait3A_29] : memref<1000x512xf32, #tpu.memory_space<hbm>> -> memref<1000x512xf32, #tpu.memory_space<hbm>>
    tpu.wait_indirect_dma semaphore(%arg7 : memref<!tpu.dma_semaphore, #tpu.memory_space<semaphore_mem>>) src(%dma_wait3A_30 : memref<1000x512xf32, #tpu.memory_space<hbm>>) dst(%dma_wait3A_25 : memref<112x512xf32, #tpu.memory_space<vmem>>)
    %add3A_31 = arith.constant 0 : i32
    %add3A_32 = arith.addi %mul3A_2, %add3A_31 : i32
    %dma_start3A_33 = arith.constant 0 : i32
    %dma_start3A_34 = arith.constant 0 : i32
    %dma_start3A_35 = arith.constant 0 : i32
    %dma_start3A_36 = tpu.memref_slice %arg6[%dma_start3A_33, %dma_start3A_34, %dma_start3A_35] : memref<2x112x512xf32, #tpu.memory_space<vmem>> -> memref<1x112x512xf32, #tpu.memory_space<vmem>>
    %dma_start3A_37 = tpu.memref_squeeze %dma_start3A_36 : memref<1x112x512xf32, #tpu.memory_space<vmem>> -> memref<112x512xf32, #tpu.memory_space<vmem>>
    %dma_start3A_38 = arith.constant 0 : i32
    %dma_start3A_39 = tpu.memref_slice %arg4[%add3A_32, %dma_start3A_38] : memref<16384x512xf32, #tpu.memory_space<hbm>> -> memref<112x512xf32, #tpu.memory_space<hbm>>
    %dma_start3A_40 = arith.constant 0 : i32
    %dma_start3A_41 = tpu.memref_slice %arg4[%add3A_32, %dma_start3A_40] : memref<16384x512xf32, #tpu.memory_space<hbm>> -> memref<112x512xf32, #tpu.memory_space<hbm>>
    %dma_start3A_42 = arith.constant 0 : i32
    %dma_start3A_43 = arith.constant 0 : i32
    %dma_start3A_44 = tpu.memref_slice %arg6[%dma_start3A_33, %dma_start3A_42, %dma_start3A_43] : memref<2x112x512xf32, #tpu.memory_space<vmem>> -> memref<1x112x512xf32, #tpu.memory_space<vmem>>
    %dma_start3A_45 = tpu.memref_squeeze %dma_start3A_44 : memref<1x112x512xf32, #tpu.memory_space<vmem>> -> memref<112x512xf32, #tpu.memory_space<vmem>>
    tpu.enqueue_dma source(%dma_start3A_45 : memref<112x512xf32, #tpu.memory_space<vmem>>) target(%dma_start3A_41 : memref<112x512xf32, #tpu.memory_space<hbm>>) target_semaphore(%arg9 : memref<!tpu.dma_semaphore, #tpu.memory_space<semaphore_mem>>)
    %dma_wait3A_46 = arith.constant 0 : i32
    %dma_wait3A_47 = arith.constant 0 : i32
    %dma_wait3A_48 = arith.constant 0 : i32
    %dma_wait3A_49 = tpu.memref_slice %arg6[%dma_wait3A_46, %dma_wait3A_47, %dma_wait3A_48] : memref<2x112x512xf32, #tpu.memory_space<vmem>> -> memref<1x112x512xf32, #tpu.memory_space<vmem>>
    %dma_wait3A_50 = tpu.memref_squeeze %dma_wait3A_49 : memref<1x112x512xf32, #tpu.memory_space<vmem>> -> memref<112x512xf32, #tpu.memory_space<vmem>>
    %dma_wait3A_51 = arith.constant 0 : i32
    %dma_wait3A_52 = tpu.memref_slice %arg4[%add3A_32, %dma_wait3A_51] : memref<16384x512xf32, #tpu.memory_space<hbm>> -> memref<112x512xf32, #tpu.memory_space<hbm>>
    %dma_wait3A_53 = arith.constant 0 : i32
    %dma_wait3A_54 = tpu.memref_slice %arg4[%add3A_32, %dma_wait3A_53] : memref<16384x512xf32, #tpu.memory_space<hbm>> -> memref<112x512xf32, #tpu.memory_space<hbm>>
    %dma_wait3A_55 = arith.constant 0 : i32
    %dma_wait3A_56 = arith.constant 0 : i32
    %dma_wait3A_57 = tpu.memref_slice %arg6[%dma_wait3A_46, %dma_wait3A_55, %dma_wait3A_56] : memref<2x112x512xf32, #tpu.memory_space<vmem>> -> memref<1x112x512xf32, #tpu.memory_space<vmem>>
    %dma_wait3A_58 = tpu.memref_squeeze %dma_wait3A_57 : memref<1x112x512xf32, #tpu.memory_space<vmem>> -> memref<112x512xf32, #tpu.memory_space<vmem>>
    tpu.wait_dma2 semaphore(%arg9 : memref<!tpu.dma_semaphore, #tpu.memory_space<semaphore_mem>>) src(%dma_wait3A_58 : memref<112x512xf32, #tpu.memory_space<vmem>>) dst(%dma_wait3A_54 : memref<112x512xf32, #tpu.memory_space<hbm>>)
    %dma_start3A_59 = arith.constant 0 : i32
    %dma_start3A_60 = arith.constant 0 : i32
    %dma_start3A_61 = arith.constant 0 : i32
    %dma_start3A_62 = tpu.memref_slice %arg6[%dma_start3A_59, %dma_start3A_60, %dma_start3A_61] : memref<2x112x512xf32, #tpu.memory_space<vmem>> -> memref<1x112x512xf32, #tpu.memory_space<vmem>>
    %dma_start3A_63 = tpu.memref_squeeze %dma_start3A_62 : memref<1x112x512xf32, #tpu.memory_space<vmem>> -> memref<112x512xf32, #tpu.memory_space<vmem>>
    %dma_start3A_64 = arith.constant 224 : i32
    %dma_start3A_65 = tpu.memref_slice %arg5[%dma_start3A_64] : memref<512xi32, #tpu.memory_space<vmem>> -> memref<112xi32, #tpu.memory_space<vmem>>
    %dma_start3A_66 = arith.constant 0 : i32
    %dma_start3A_67 = arith.constant 0 : i32
    %dma_start3A_68 = tpu.memref_slice %arg2[%dma_start3A_66, %dma_start3A_67] : memref<1000x512xf32, #tpu.memory_space<hbm>> -> memref<1000x512xf32, #tpu.memory_space<hbm>>
    tpu.enqueue_indirect_dma source(%dma_start3A_68 : memref<1000x512xf32, #tpu.memory_space<hbm>>) target(%dma_start3A_63 : memref<112x512xf32, #tpu.memory_space<vmem>>) offsets(%dma_start3A_65 : memref<112xi32, #tpu.memory_space<vmem>>) semaphore(%arg7 : memref<!tpu.dma_semaphore, #tpu.memory_space<semaphore_mem>>)
    %dma_wait3A_69 = arith.constant 1 : i32
    %dma_wait3A_70 = arith.constant 0 : i32
    %dma_wait3A_71 = arith.constant 0 : i32
    %dma_wait3A_72 = tpu.memref_slice %arg6[%dma_wait3A_69, %dma_wait3A_70, %dma_wait3A_71] : memref<2x112x512xf32, #tpu.memory_space<vmem>> -> memref<1x112x512xf32, #tpu.memory_space<vmem>>
    %dma_wait3A_73 = tpu.memref_squeeze %dma_wait3A_72 : memref<1x112x512xf32, #tpu.memory_space<vmem>> -> memref<112x512xf32, #tpu.memory_space<vmem>>
    %dma_wait3A_74 = arith.constant 112 : i32
    %dma_wait3A_75 = tpu.memref_slice %arg5[%dma_wait3A_74] : memref<512xi32, #tpu.memory_space<vmem>> -> memref<112xi32, #tpu.memory_space<vmem>>
    %dma_wait3A_76 = arith.constant 0 : i32
    %dma_wait3A_77 = arith.constant 0 : i32
    %dma_wait3A_78 = tpu.memref_slice %arg2[%dma_wait3A_76, %dma_wait3A_77] : memref<1000x512xf32, #tpu.memory_space<hbm>> -> memref<1000x512xf32, #tpu.memory_space<hbm>>
    tpu.wait_indirect_dma semaphore(%arg8 : memref<!tpu.dma_semaphore, #tpu.memory_space<semaphore_mem>>) src(%dma_wait3A_78 : memref<1000x512xf32, #tpu.memory_space<hbm>>) dst(%dma_wait3A_73 : memref<112x512xf32, #tpu.memory_space<vmem>>)
    %add3A_79 = arith.constant 112 : i32
    %add3A_80 = arith.addi %mul3A_2, %add3A_79 : i32
    %dma_start3A_81 = arith.constant 1 : i32
    %dma_start3A_82 = arith.constant 0 : i32
    %dma_start3A_83 = arith.constant 0 : i32
    %dma_start3A_84 = tpu.memref_slice %arg6[%dma_start3A_81, %dma_start3A_82, %dma_start3A_83] : memref<2x112x512xf32, #tpu.memory_space<vmem>> -> memref<1x112x512xf32, #tpu.memory_space<vmem>>
    %dma_start3A_85 = tpu.memref_squeeze %dma_start3A_84 : memref<1x112x512xf32, #tpu.memory_space<vmem>> -> memref<112x512xf32, #tpu.memory_space<vmem>>
    %dma_start3A_86 = arith.constant 0 : i32
    %dma_start3A_87 = tpu.memref_slice %arg4[%add3A_80, %dma_start3A_86] : memref<16384x512xf32, #tpu.memory_space<hbm>> -> memref<112x512xf32, #tpu.memory_space<hbm>>
    %dma_start3A_88 = arith.constant 0 : i32
    %dma_start3A_89 = tpu.memref_slice %arg4[%add3A_80, %dma_start3A_88] : memref<16384x512xf32, #tpu.memory_space<hbm>> -> memref<112x512xf32, #tpu.memory_space<hbm>>
    %dma_start3A_90 = arith.constant 0 : i32
    %dma_start3A_91 = arith.constant 0 : i32
    %dma_start3A_92 = tpu.memref_slice %arg6[%dma_start3A_81, %dma_start3A_90, %dma_start3A_91] : memref<2x112x512xf32, #tpu.memory_space<vmem>> -> memref<1x112x512xf32, #tpu.memory_space<vmem>>
    %dma_start3A_93 = tpu.memref_squeeze %dma_start3A_92 : memref<1x112x512xf32, #tpu.memory_space<vmem>> -> memref<112x512xf32, #tpu.memory_space<vmem>>
    tpu.enqueue_dma source(%dma_start3A_93 : memref<112x512xf32, #tpu.memory_space<vmem>>) target(%dma_start3A_89 : memref<112x512xf32, #tpu.memory_space<hbm>>) target_semaphore(%arg10 : memref<!tpu.dma_semaphore, #tpu.memory_space<semaphore_mem>>)
    %dma_wait3A_94 = arith.constant 1 : i32
    %dma_wait3A_95 = arith.constant 0 : i32
    %dma_wait3A_96 = arith.constant 0 : i32
    %dma_wait3A_97 = tpu.memref_slice %arg6[%dma_wait3A_94, %dma_wait3A_95, %dma_wait3A_96] : memref<2x112x512xf32, #tpu.memory_space<vmem>> -> memref<1x112x512xf32, #tpu.memory_space<vmem>>
    %dma_wait3A_98 = tpu.memref_squeeze %dma_wait3A_97 : memref<1x112x512xf32, #tpu.memory_space<vmem>> -> memref<112x512xf32, #tpu.memory_space<vmem>>
    %dma_wait3A_99 = arith.constant 0 : i32
    %dma_wait3A_100 = tpu.memref_slice %arg4[%add3A_80, %dma_wait3A_99] : memref<16384x512xf32, #tpu.memory_space<hbm>> -> memref<112x512xf32, #tpu.memory_space<hbm>>
    %dma_wait3A_101 = arith.constant 0 : i32
    %dma_wait3A_102 = tpu.memref_slice %arg4[%add3A_80, %dma_wait3A_101] : memref<16384x512xf32, #tpu.memory_space<hbm>> -> memref<112x512xf32, #tpu.memory_space<hbm>>
    %dma_wait3A_103 = arith.constant 0 : i32
    %dma_wait3A_104 = arith.constant 0 : i32
    %dma_wait3A_105 = tpu.memref_slice %arg6[%dma_wait3A_94, %dma_wait3A_103, %dma_wait3A_104] : memref<2x112x512xf32, #tpu.memory_space<vmem>> -> memref<1x112x512xf32, #tpu.memory_space<vmem>>
    %dma_wait3A_106 = tpu.memref_squeeze %dma_wait3A_105 : memref<1x112x512xf32, #tpu.memory_space<vmem>> -> memref<112x512xf32, #tpu.memory_space<vmem>>
    tpu.wait_dma2 semaphore(%arg10 : memref<!tpu.dma_semaphore, #tpu.memory_space<semaphore_mem>>) src(%dma_wait3A_106 : memref<112x512xf32, #tpu.memory_space<vmem>>) dst(%dma_wait3A_102 : memref<112x512xf32, #tpu.memory_space<hbm>>)
    %dma_start3A_107 = arith.constant 1 : i32
    %dma_start3A_108 = arith.constant 0 : i32
    %dma_start3A_109 = arith.constant 0 : i32
    %dma_start3A_110 = tpu.memref_slice %arg6[%dma_start3A_107, %dma_start3A_108, %dma_start3A_109] : memref<2x112x512xf32, #tpu.memory_space<vmem>> -> memref<1x112x512xf32, #tpu.memory_space<vmem>>
    %dma_start3A_111 = tpu.memref_squeeze %dma_start3A_110 : memref<1x112x512xf32, #tpu.memory_space<vmem>> -> memref<112x512xf32, #tpu.memory_space<vmem>>
    %dma_start3A_112 = arith.constant 336 : i32
    %dma_start3A_113 = tpu.memref_slice %arg5[%dma_start3A_112] : memref<512xi32, #tpu.memory_space<vmem>> -> memref<112xi32, #tpu.memory_space<vmem>>
    %dma_start3A_114 = arith.constant 0 : i32
    %dma_start3A_115 = arith.constant 0 : i32
    %dma_start3A_116 = tpu.memref_slice %arg2[%dma_start3A_114, %dma_start3A_115] : memref<1000x512xf32, #tpu.memory_space<hbm>> -> memref<1000x512xf32, #tpu.memory_space<hbm>>
    tpu.enqueue_indirect_dma source(%dma_start3A_116 : memref<1000x512xf32, #tpu.memory_space<hbm>>) target(%dma_start3A_111 : memref<112x512xf32, #tpu.memory_space<vmem>>) offsets(%dma_start3A_113 : memref<112xi32, #tpu.memory_space<vmem>>) semaphore(%arg8 : memref<!tpu.dma_semaphore, #tpu.memory_space<semaphore_mem>>)
    %dma_wait3A_117 = arith.constant 0 : i32
    %dma_wait3A_118 = arith.constant 0 : i32
    %dma_wait3A_119 = arith.constant 0 : i32
    %dma_wait3A_120 = tpu.memref_slice %arg6[%dma_wait3A_117, %dma_wait3A_118, %dma_wait3A_119] : memref<2x112x512xf32, #tpu.memory_space<vmem>> -> memref<1x112x512xf32, #tpu.memory_space<vmem>>
    %dma_wait3A_121 = tpu.memref_squeeze %dma_wait3A_120 : memref<1x112x512xf32, #tpu.memory_space<vmem>> -> memref<112x512xf32, #tpu.memory_space<vmem>>
    %dma_wait3A_122 = arith.constant 224 : i32
    %dma_wait3A_123 = tpu.memref_slice %arg5[%dma_wait3A_122] : memref<512xi32, #tpu.memory_space<vmem>> -> memref<112xi32, #tpu.memory_space<vmem>>
    %dma_wait3A_124 = arith.constant 0 : i32
    %dma_wait3A_125 = arith.constant 0 : i32
    %dma_wait3A_126 = tpu.memref_slice %arg2[%dma_wait3A_124, %dma_wait3A_125] : memref<1000x512xf32, #tpu.memory_space<hbm>> -> memref<1000x512xf32, #tpu.memory_space<hbm>>
    tpu.wait_indirect_dma semaphore(%arg7 : memref<!tpu.dma_semaphore, #tpu.memory_space<semaphore_mem>>) src(%dma_wait3A_126 : memref<1000x512xf32, #tpu.memory_space<hbm>>) dst(%dma_wait3A_121 : memref<112x512xf32, #tpu.memory_space<vmem>>)
    %add3A_127 = arith.constant 224 : i32
    %add3A_128 = arith.addi %mul3A_2, %add3A_127 : i32
    %dma_start3A_129 = arith.constant 0 : i32
    %dma_start3A_130 = arith.constant 0 : i32
    %dma_start3A_131 = arith.constant 0 : i32
    %dma_start3A_132 = tpu.memref_slice %arg6[%dma_start3A_129, %dma_start3A_130, %dma_start3A_131] : memref<2x112x512xf32, #tpu.memory_space<vmem>> -> memref<1x112x512xf32, #tpu.memory_space<vmem>>
    %dma_start3A_133 = tpu.memref_squeeze %dma_start3A_132 : memref<1x112x512xf32, #tpu.memory_space<vmem>> -> memref<112x512xf32, #tpu.memory_space<vmem>>
    %dma_start3A_134 = arith.constant 0 : i32
    %dma_start3A_135 = tpu.memref_slice %arg4[%add3A_128, %dma_start3A_134] : memref<16384x512xf32, #tpu.memory_space<hbm>> -> memref<112x512xf32, #tpu.memory_space<hbm>>
    %dma_start3A_136 = arith.constant 0 : i32
    %dma_start3A_137 = tpu.memref_slice %arg4[%add3A_128, %dma_start3A_136] : memref<16384x512xf32, #tpu.memory_space<hbm>> -> memref<112x512xf32, #tpu.memory_space<hbm>>
    %dma_start3A_138 = arith.constant 0 : i32
    %dma_start3A_139 = arith.constant 0 : i32
    %dma_start3A_140 = tpu.memref_slice %arg6[%dma_start3A_129, %dma_start3A_138, %dma_start3A_139] : memref<2x112x512xf32, #tpu.memory_space<vmem>> -> memref<1x112x512xf32, #tpu.memory_space<vmem>>
    %dma_start3A_141 = tpu.memref_squeeze %dma_start3A_140 : memref<1x112x512xf32, #tpu.memory_space<vmem>> -> memref<112x512xf32, #tpu.memory_space<vmem>>
    tpu.enqueue_dma source(%dma_start3A_141 : memref<112x512xf32, #tpu.memory_space<vmem>>) target(%dma_start3A_137 : memref<112x512xf32, #tpu.memory_space<hbm>>) target_semaphore(%arg9 : memref<!tpu.dma_semaphore, #tpu.memory_space<semaphore_mem>>)
    %dma_wait3A_142 = arith.constant 0 : i32
    %dma_wait3A_143 = arith.constant 0 : i32
    %dma_wait3A_144 = arith.constant 0 : i32
    %dma_wait3A_145 = tpu.memref_slice %arg6[%dma_wait3A_142, %dma_wait3A_143, %dma_wait3A_144] : memref<2x112x512xf32, #tpu.memory_space<vmem>> -> memref<1x112x512xf32, #tpu.memory_space<vmem>>
    %dma_wait3A_146 = tpu.memref_squeeze %dma_wait3A_145 : memref<1x112x512xf32, #tpu.memory_space<vmem>> -> memref<112x512xf32, #tpu.memory_space<vmem>>
    %dma_wait3A_147 = arith.constant 0 : i32
    %dma_wait3A_148 = tpu.memref_slice %arg4[%add3A_128, %dma_wait3A_147] : memref<16384x512xf32, #tpu.memory_space<hbm>> -> memref<112x512xf32, #tpu.memory_space<hbm>>
    %dma_wait3A_149 = arith.constant 0 : i32
    %dma_wait3A_150 = tpu.memref_slice %arg4[%add3A_128, %dma_wait3A_149] : memref<16384x512xf32, #tpu.memory_space<hbm>> -> memref<112x512xf32, #tpu.memory_space<hbm>>
    %dma_wait3A_151 = arith.constant 0 : i32
    %dma_wait3A_152 = arith.constant 0 : i32
    %dma_wait3A_153 = tpu.memref_slice %arg6[%dma_wait3A_142, %dma_wait3A_151, %dma_wait3A_152] : memref<2x112x512xf32, #tpu.memory_space<vmem>> -> memref<1x112x512xf32, #tpu.memory_space<vmem>>
    %dma_wait3A_154 = tpu.memref_squeeze %dma_wait3A_153 : memref<1x112x512xf32, #tpu.memory_space<vmem>> -> memref<112x512xf32, #tpu.memory_space<vmem>>
    tpu.wait_dma2 semaphore(%arg9 : memref<!tpu.dma_semaphore, #tpu.memory_space<semaphore_mem>>) src(%dma_wait3A_154 : memref<112x512xf32, #tpu.memory_space<vmem>>) dst(%dma_wait3A_150 : memref<112x512xf32, #tpu.memory_space<hbm>>)
    %dma_start3A_155 = arith.constant 0 : i32
    %dma_start3A_156 = arith.constant 0 : i32
    %dma_start3A_157 = arith.constant 0 : i32
    %dma_start3A_158 = tpu.memref_slice %arg6[%dma_start3A_155, %dma_start3A_156, %dma_start3A_157] : memref<2x112x512xf32, #tpu.memory_space<vmem>> -> memref<1x64x512xf32, #tpu.memory_space<vmem>>
    %dma_start3A_159 = tpu.memref_squeeze %dma_start3A_158 : memref<1x64x512xf32, #tpu.memory_space<vmem>> -> memref<64x512xf32, #tpu.memory_space<vmem>>
    %dma_start3A_160 = arith.constant 448 : i32
    %dma_start3A_161 = tpu.memref_slice %arg5[%dma_start3A_160] : memref<512xi32, #tpu.memory_space<vmem>> -> memref<64xi32, #tpu.memory_space<vmem>>
    %dma_start3A_162 = arith.constant 0 : i32
    %dma_start3A_163 = arith.constant 0 : i32
    %dma_start3A_164 = tpu.memref_slice %arg2[%dma_start3A_162, %dma_start3A_163] : memref<1000x512xf32, #tpu.memory_space<hbm>> -> memref<1000x512xf32, #tpu.memory_space<hbm>>
    tpu.enqueue_indirect_dma source(%dma_start3A_164 : memref<1000x512xf32, #tpu.memory_space<hbm>>) target(%dma_start3A_159 : memref<64x512xf32, #tpu.memory_space<vmem>>) offsets(%dma_start3A_161 : memref<64xi32, #tpu.memory_space<vmem>>) semaphore(%arg7 : memref<!tpu.dma_semaphore, #tpu.memory_space<semaphore_mem>>)
    %dma_wait3A_165 = arith.constant 1 : i32
    %dma_wait3A_166 = arith.constant 0 : i32
    %dma_wait3A_167 = arith.constant 0 : i32
    %dma_wait3A_168 = tpu.memref_slice %arg6[%dma_wait3A_165, %dma_wait3A_166, %dma_wait3A_167] : memref<2x112x512xf32, #tpu.memory_space<vmem>> -> memref<1x112x512xf32, #tpu.memory_space<vmem>>
    %dma_wait3A_169 = tpu.memref_squeeze %dma_wait3A_168 : memref<1x112x512xf32, #tpu.memory_space<vmem>> -> memref<112x512xf32, #tpu.memory_space<vmem>>
    %dma_wait3A_170 = arith.constant 336 : i32
    %dma_wait3A_171 = tpu.memref_slice %arg5[%dma_wait3A_170] : memref<512xi32, #tpu.memory_space<vmem>> -> memref<112xi32, #tpu.memory_space<vmem>>
    %dma_wait3A_172 = arith.constant 0 : i32
    %dma_wait3A_173 = arith.constant 0 : i32
    %dma_wait3A_174 = tpu.memref_slice %arg2[%dma_wait3A_172, %dma_wait3A_173] : memref<1000x512xf32, #tpu.memory_space<hbm>> -> memref<1000x512xf32, #tpu.memory_space<hbm>>
    tpu.wait_indirect_dma semaphore(%arg8 : memref<!tpu.dma_semaphore, #tpu.memory_space<semaphore_mem>>) src(%dma_wait3A_174 : memref<1000x512xf32, #tpu.memory_space<hbm>>) dst(%dma_wait3A_169 : memref<112x512xf32, #tpu.memory_space<vmem>>)
    %add3A_175 = arith.constant 336 : i32
    %add3A_176 = arith.addi %mul3A_2, %add3A_175 : i32
    %dma_start3A_177 = arith.constant 1 : i32
    %dma_start3A_178 = arith.constant 0 : i32
    %dma_start3A_179 = arith.constant 0 : i32
    %dma_start3A_180 = tpu.memref_slice %arg6[%dma_start3A_177, %dma_start3A_178, %dma_start3A_179] : memref<2x112x512xf32, #tpu.memory_space<vmem>> -> memref<1x112x512xf32, #tpu.memory_space<vmem>>
    %dma_start3A_181 = tpu.memref_squeeze %dma_start3A_180 : memref<1x112x512xf32, #tpu.memory_space<vmem>> -> memref<112x512xf32, #tpu.memory_space<vmem>>
    %dma_start3A_182 = arith.constant 0 : i32
    %dma_start3A_183 = tpu.memref_slice %arg4[%add3A_176, %dma_start3A_182] : memref<16384x512xf32, #tpu.memory_space<hbm>> -> memref<112x512xf32, #tpu.memory_space<hbm>>
    %dma_start3A_184 = arith.constant 0 : i32
    %dma_start3A_185 = tpu.memref_slice %arg4[%add3A_176, %dma_start3A_184] : memref<16384x512xf32, #tpu.memory_space<hbm>> -> memref<112x512xf32, #tpu.memory_space<hbm>>
    %dma_start3A_186 = arith.constant 0 : i32
    %dma_start3A_187 = arith.constant 0 : i32
    %dma_start3A_188 = tpu.memref_slice %arg6[%dma_start3A_177, %dma_start3A_186, %dma_start3A_187] : memref<2x112x512xf32, #tpu.memory_space<vmem>> -> memref<1x112x512xf32, #tpu.memory_space<vmem>>
    %dma_start3A_189 = tpu.memref_squeeze %dma_start3A_188 : memref<1x112x512xf32, #tpu.memory_space<vmem>> -> memref<112x512xf32, #tpu.memory_space<vmem>>
    tpu.enqueue_dma source(%dma_start3A_189 : memref<112x512xf32, #tpu.memory_space<vmem>>) target(%dma_start3A_185 : memref<112x512xf32, #tpu.memory_space<hbm>>) target_semaphore(%arg10 : memref<!tpu.dma_semaphore, #tpu.memory_space<semaphore_mem>>)
    %dma_wait3A_190 = arith.constant 0 : i32
    %dma_wait3A_191 = arith.constant 0 : i32
    %dma_wait3A_192 = arith.constant 0 : i32
    %dma_wait3A_193 = tpu.memref_slice %arg6[%dma_wait3A_190, %dma_wait3A_191, %dma_wait3A_192] : memref<2x112x512xf32, #tpu.memory_space<vmem>> -> memref<1x64x512xf32, #tpu.memory_space<vmem>>
    %dma_wait3A_194 = tpu.memref_squeeze %dma_wait3A_193 : memref<1x64x512xf32, #tpu.memory_space<vmem>> -> memref<64x512xf32, #tpu.memory_space<vmem>>
    %dma_wait3A_195 = arith.constant 448 : i32
    %dma_wait3A_196 = tpu.memref_slice %arg5[%dma_wait3A_195] : memref<512xi32, #tpu.memory_space<vmem>> -> memref<64xi32, #tpu.memory_space<vmem>>
    %dma_wait3A_197 = arith.constant 0 : i32
    %dma_wait3A_198 = arith.constant 0 : i32
    %dma_wait3A_199 = tpu.memref_slice %arg2[%dma_wait3A_197, %dma_wait3A_198] : memref<1000x512xf32, #tpu.memory_space<hbm>> -> memref<1000x512xf32, #tpu.memory_space<hbm>>
    tpu.wait_indirect_dma semaphore(%arg7 : memref<!tpu.dma_semaphore, #tpu.memory_space<semaphore_mem>>) src(%dma_wait3A_199 : memref<1000x512xf32, #tpu.memory_space<hbm>>) dst(%dma_wait3A_194 : memref<64x512xf32, #tpu.memory_space<vmem>>)
    %add3A_200 = arith.constant 448 : i32
    %add3A_201 = arith.addi %mul3A_2, %add3A_200 : i32
    %dma_start3A_202 = arith.constant 0 : i32
    %dma_start3A_203 = arith.constant 0 : i32
    %dma_start3A_204 = arith.constant 0 : i32
    %dma_start3A_205 = tpu.memref_slice %arg6[%dma_start3A_202, %dma_start3A_203, %dma_start3A_204] : memref<2x112x512xf32, #tpu.memory_space<vmem>> -> memref<1x64x512xf32, #tpu.memory_space<vmem>>
    %dma_start3A_206 = tpu.memref_squeeze %dma_start3A_205 : memref<1x64x512xf32, #tpu.memory_space<vmem>> -> memref<64x512xf32, #tpu.memory_space<vmem>>
    %dma_start3A_207 = arith.constant 0 : i32
    %dma_start3A_208 = tpu.memref_slice %arg4[%add3A_201, %dma_start3A_207] : memref<16384x512xf32, #tpu.memory_space<hbm>> -> memref<64x512xf32, #tpu.memory_space<hbm>>
    %dma_start3A_209 = arith.constant 0 : i32
    %dma_start3A_210 = tpu.memref_slice %arg4[%add3A_201, %dma_start3A_209] : memref<16384x512xf32, #tpu.memory_space<hbm>> -> memref<64x512xf32, #tpu.memory_space<hbm>>
    %dma_start3A_211 = arith.constant 0 : i32
    %dma_start3A_212 = arith.constant 0 : i32
    %dma_start3A_213 = tpu.memref_slice %arg6[%dma_start3A_202, %dma_start3A_211, %dma_start3A_212] : memref<2x112x512xf32, #tpu.memory_space<vmem>> -> memref<1x64x512xf32, #tpu.memory_space<vmem>>
    %dma_start3A_214 = tpu.memref_squeeze %dma_start3A_213 : memref<1x64x512xf32, #tpu.memory_space<vmem>> -> memref<64x512xf32, #tpu.memory_space<vmem>>
    tpu.enqueue_dma source(%dma_start3A_214 : memref<64x512xf32, #tpu.memory_space<vmem>>) target(%dma_start3A_210 : memref<64x512xf32, #tpu.memory_space<hbm>>) target_semaphore(%arg9 : memref<!tpu.dma_semaphore, #tpu.memory_space<semaphore_mem>>)
    %dma_wait3A_215 = arith.constant 1 : i32
    %dma_wait3A_216 = arith.constant 0 : i32
    %dma_wait3A_217 = arith.constant 0 : i32
    %dma_wait3A_218 = tpu.memref_slice %arg6[%dma_wait3A_215, %dma_wait3A_216, %dma_wait3A_217] : memref<2x112x512xf32, #tpu.memory_space<vmem>> -> memref<1x112x512xf32, #tpu.memory_space<vmem>>
    %dma_wait3A_219 = tpu.memref_squeeze %dma_wait3A_218 : memref<1x112x512xf32, #tpu.memory_space<vmem>> -> memref<112x512xf32, #tpu.memory_space<vmem>>
    %dma_wait3A_220 = arith.constant 0 : i32
    %dma_wait3A_221 = tpu.memref_slice %arg4[%add3A_176, %dma_wait3A_220] : memref<16384x512xf32, #tpu.memory_space<hbm>> -> memref<112x512xf32, #tpu.memory_space<hbm>>
    %dma_wait3A_222 = arith.constant 0 : i32
    %dma_wait3A_223 = tpu.memref_slice %arg4[%add3A_176, %dma_wait3A_222] : memref<16384x512xf32, #tpu.memory_space<hbm>> -> memref<112x512xf32, #tpu.memory_space<hbm>>
    %dma_wait3A_224 = arith.constant 0 : i32
    %dma_wait3A_225 = arith.constant 0 : i32
    %dma_wait3A_226 = tpu.memref_slice %arg6[%dma_wait3A_215, %dma_wait3A_224, %dma_wait3A_225] : memref<2x112x512xf32, #tpu.memory_space<vmem>> -> memref<1x112x512xf32, #tpu.memory_space<vmem>>
    %dma_wait3A_227 = tpu.memref_squeeze %dma_wait3A_226 : memref<1x112x512xf32, #tpu.memory_space<vmem>> -> memref<112x512xf32, #tpu.memory_space<vmem>>
    tpu.wait_dma2 semaphore(%arg10 : memref<!tpu.dma_semaphore, #tpu.memory_space<semaphore_mem>>) src(%dma_wait3A_227 : memref<112x512xf32, #tpu.memory_space<vmem>>) dst(%dma_wait3A_223 : memref<112x512xf32, #tpu.memory_space<hbm>>)
    %dma_wait3A_228 = arith.constant 0 : i32
    %dma_wait3A_229 = arith.constant 0 : i32
    %dma_wait3A_230 = arith.constant 0 : i32
    %dma_wait3A_231 = tpu.memref_slice %arg6[%dma_wait3A_228, %dma_wait3A_229, %dma_wait3A_230] : memref<2x112x512xf32, #tpu.memory_space<vmem>> -> memref<1x64x512xf32, #tpu.memory_space<vmem>>
    %dma_wait3A_232 = tpu.memref_squeeze %dma_wait3A_231 : memref<1x64x512xf32, #tpu.memory_space<vmem>> -> memref<64x512xf32, #tpu.memory_space<vmem>>
    %dma_wait3A_233 = arith.constant 0 : i32
    %dma_wait3A_234 = tpu.memref_slice %arg4[%add3A_201, %dma_wait3A_233] : memref<16384x512xf32, #tpu.memory_space<hbm>> -> memref<64x512xf32, #tpu.memory_space<hbm>>
    %dma_wait3A_235 = arith.constant 0 : i32
    %dma_wait3A_236 = tpu.memref_slice %arg4[%add3A_201, %dma_wait3A_235] : memref<16384x512xf32, #tpu.memory_space<hbm>> -> memref<64x512xf32, #tpu.memory_space<hbm>>
    %dma_wait3A_237 = arith.constant 0 : i32
    %dma_wait3A_238 = arith.constant 0 : i32
    %dma_wait3A_239 = tpu.memref_slice %arg6[%dma_wait3A_228, %dma_wait3A_237, %dma_wait3A_238] : memref<2x112x512xf32, #tpu.memory_space<vmem>> -> memref<1x64x512xf32, #tpu.memory_space<vmem>>
    %dma_wait3A_240 = tpu.memref_squeeze %dma_wait3A_239 : memref<1x64x512xf32, #tpu.memory_space<vmem>> -> memref<64x512xf32, #tpu.memory_space<vmem>>
    tpu.wait_dma2 semaphore(%arg9 : memref<!tpu.dma_semaphore, #tpu.memory_space<semaphore_mem>>) src(%dma_wait3A_240 : memref<64x512xf32, #tpu.memory_space<vmem>>) dst(%dma_wait3A_236 : memref<64x512xf32, #tpu.memory_space<hbm>>)
    return
  }
}

</mosaic_0001>

<sc_bundles>
// kernel: kernel.3.cloned.1.call-start
scs
__scs_entry_jumppad:
0x0: {  	(pc) =	sbr.rel $0x88, $3  }
0x1: {  	(tag) =	ssettag $0x0;
	lr =	simm.s32 $0x1  }
0x2: {  	[smem:$0x3F9F] =	sst lr;
	_ =	strace $0xD0000000  }
0x3: {  	_ = 	snop  }
0x4: {  	_ = 	snop  }
0x5: {  	_ = 	snop  }
0x6: {  	_ = 	snop  }
0x7: {  	_ = 	snop  }
__scs_overlays_trampoline_lowered:
0x8: {  	[smem:$0x3FAE] =	sst s0  }
0x9: {  	[smem:$0x3FAF] =	sst s1  }
0xa: {  	[smem:$0x3FB0] =	sst s2  }
0xb: {  	[smem:$0x3FB1] =	sst s3  }
0xc: {  	[smem:$0x3FB2] =	sst s4  }
0xd: {  	[smem:$0x3FB3] =	sst s5  }
0xe: {  	[smem:$0x3FB4] =	sst s6  }
0xf: {  	[smem:$0x3FB5] =	sst s7  }
0x10: {  	[smem:$0x3FB6] =	sst s8  }
0x11: {  	[smem:$0x3FB7] =	sst s9;
	s0 =	simm.s32 @!p0 $0x0  }
0x12: {  	s1 =	sld [smem:$0x3F9D];
	s0 =	simm.s32 @p0 $0x1  }
0x13: {  	[smem:$0x3FB8] =	sst s0;
	s0 =	simm.s32 @!p1 $0x0  }
0x14: {  	s2 =	sld [smem:$0x3F9C];
	s0 =	simm.s32 @p1 $0x1  }
0x15: {  	[smem:$0x3FB9] =	sst s0;
	s0 =	simm.s32 @!p2 $0x0  }
0x16: {  	s3 =	sld [smem:$0x3FDB];
	s0 =	simm.s32 @p2 $0x1  }
0x17: {  	s4 =	simm.s32 $0x1BF5;
	[smem:$0x3FBB] =	sst s0  }
0x18: {  	s0 =	sld [smem:$0x3F9E];
	_ =	swait.ge [sflag:s4], $0x0  }
0x19: {  	s7 =	sld [smem:$0x3F9F]  }
0x1a: {  	s8 =	sadd.s32 $0xFFFFE003, lr  }
0x1b: {  	s9 =	sadd.s32 $0xFFFFFEF7, lr;
	s5 =	simm.s32 $0xFFFFFFFF;
	p2 =	slt.u32 s8, $0xFFFFF086  }
0x1c: {  	p1 =	slt.u32 s9, $0xF7A;
	s5 =	simm.s32 @!p2 $0x0  }
0x1d: {  	s5 =	simm.s32 @p1 $0x1;
	p0 =	seq.s32 s7, s2  }
0x1e: {  	s7 =	smul.u32 @!p0 $0xF7A, s2;
	p2 =	seq.s32 @!p0 s5, $0x0  }
0x1f: {  	s9 =	smul.u32 $0xF7A, s1;
	s8 =	simm.s32 @!p0 $0x1BF5;
	p2 =	por !p2, p0  }
0x20: {  	[sflag:s8] =	ssyncset.s32 @!p0 $0xFFFFF086;
	s6 =	sadd.s32 @!p0 s3, s7;
	s7 =	simm.s32 @!p0 $0x108  }
0x21: {  	s3 =	sadd.s32 s3, s9;
	s6 =	sadd.s32 @!p0 $0x88, s6;
	s7 =	simm.s32 @p2 $0x1082  }
0x22: {  	[simem:s7], [sflag:s8] =	dma.local @!p0 [hbm:s6], $0xF7A  }
0x23: {  	s9 =	sor.u32 $0xD0000000, s2;
	s6 =	simm.s32 $0x108;
	_ =	swait.ge @!p0 [sflag:s8], $0x0  }
0x24: {  	s3 =	sadd.s32 $0x88, s3;
	s6 =	simm.s32 @!p1 $0x1082;
	[sflag:s4] =	ssyncset.s32 $0xFFFFF086  }
0x25: {  	[simem:s6], [sflag:s4] =	dma.local [hbm:s3], $0xF7A  }
0x26: {  	[smem:$0x3F9F] =	sst s1;
	(tag) =	ssettag s2;
	_ =	strace s9  }
0x27: {  	s1 =	sld [smem:$0x3FAF]  }
0x28: {  	s2 =	sld [smem:$0x3FB0]  }
0x29: {  	s4 =	sld [smem:$0x3FB2]  }
0x2a: {  	p0 =	seq.s32 s5, $0x0;
	s5 =	sld [smem:$0x3FB3]  }
0x2b: {  	s6 =	sld [smem:$0x3FB4]  }
0x2c: {  	s7 =	sld [smem:$0x3FB5]  }
0x2d: {  	s3 =	simm.s32 $0x108;
	s8 =	sld [smem:$0x3FB6]  }
0x2e: {  	s3 =	simm.s32 @!p0 $0x1082;
	s9 =	sld [smem:$0x3FB7]  }
0x2f: {  	lr =	sadd.s32 s0, s3;
	s0 =	sld [smem:$0x3FAE]  }
0x30: {  	s3 =	sld [smem:$0x3FB1]  }
0x31: {  	[smem:$0x3FBA] =	sst s10  }
0x32: {  	s10 =	sld [smem:$0x3FB8];
	_ =	sdelay $0x3  }
0x33: {  	p0 =	seq.s32 s10, $0x1;
	s10 =	sld [smem:$0x3FBA];
	_ =	sdelay $0x3  }
0x34: {  	[smem:$0x3FBA] =	sst s10  }
0x35: {  	s10 =	sld [smem:$0x3FB9];
	_ =	sdelay $0x3  }
0x36: {  	p1 =	seq.s32 s10, $0x1;
	s10 =	sld [smem:$0x3FBA];
	_ =	sdelay $0x3  }
0x37: {  	[smem:$0x3FBA] =	sst s10  }
0x38: {  	s10 =	sld [smem:$0x3FBB]  }
0x39: {  	_ = 	snop;
	(pc) =	sbr.ind lr, $3  }
0x3a: {  	_ = 	snop  }
0x3b: {  	_ = 	snop  }
0x3c: {  	p2 =	seq.s32 s10, $0x1;
	s10 =	sld [smem:$0x3FBA]  }
0x3d: {  	_ =	shalt  }
0x3e: {  	_ =	shalt  }
0x3f: {  	_ =	shalt  }
0x40: {  	_ =	shalt  }
0x41: {  	_ =	shalt  }
0x42: {  	_ =	shalt  }
0x43: {  	_ =	shalt  }
0x44: {  	_ =	shalt  }
0x45: {  	_ =	shalt  }
0x46: {  	_ =	shalt  }
0x47: {  	_ =	shalt  }
0x48: {  	_ =	shalt  }
0x49: {  	_ =	shalt  }
0x4a: {  	_ =	shalt  }
0x4b: {  	_ =	shalt  }
0x4c: {  	_ =	shalt  }
0x4d: {  	_ =	shalt  }
0x4e: {  	_ =	shalt  }
0x4f: {  	_ =	shalt  }
0x50: {  	_ =	shalt  }
0x51: {  	_ =	shalt  }
0x52: {  	_ =	shalt  }
0x53: {  	_ =	shalt  }
0x54: {  	_ =	shalt  }
0x55: {  	_ =	shalt  }
0x56: {  	_ =	shalt  }
0x57: {  	_ =	shalt  }
0x58: {  	_ =	shalt  }
0x59: {  	_ =	shalt  }
0x5a: {  	_ =	shalt  }
0x5b: {  	_ =	shalt  }
0x5c: {  	_ =	shalt  }
0x5d: {  	_ =	shalt  }
0x5e: {  	_ =	shalt  }
0x5f: {  	_ =	shalt  }
0x60: {  	_ =	shalt  }
0x61: {  	_ =	shalt  }
0x62: {  	_ =	shalt  }
0x63: {  	_ =	shalt  }
0x64: {  	_ =	shalt  }
0x65: {  	_ =	shalt  }
0x66: {  	_ =	shalt  }
0x67: {  	_ =	shalt  }
0x68: {  	_ =	shalt  }
0x69: {  	_ =	shalt  }
0x6a: {  	_ =	shalt  }
0x6b: {  	_ =	shalt  }
0x6c: {  	_ =	shalt  }
0x6d: {  	_ =	shalt  }
0x6e: {  	_ =	shalt  }
0x6f: {  	_ =	shalt  }
0x70: {  	_ =	shalt  }
0x71: {  	_ =	shalt  }
0x72: {  	_ =	shalt  }
0x73: {  	_ =	shalt  }
0x74: {  	_ =	shalt  }
0x75: {  	_ =	shalt  }
0x76: {  	_ =	shalt  }
0x77: {  	_ =	shalt  }
0x78: {  	_ =	shalt  }
0x79: {  	_ =	shalt  }
0x7a: {  	_ =	shalt  }
0x7b: {  	_ =	shalt  }
0x7c: {  	_ =	shalt  }
0x7d: {  	_ =	shalt  }
0x7e: {  	_ =	shalt  }
0x7f: {  	_ =	shalt  }
0x80: {  	_ =	shalt  }
0x81: {  	_ =	shalt  }
0x82: {  	_ =	shalt  }
0x83: {  	_ =	shalt  }
0x84: {  	_ =	shalt  }
0x85: {  	_ =	shalt  }
0x86: {  	_ =	shalt  }
0x87: {  	_ =	shalt  }
.Lfunc_end0:
.L_simem_size_0:
called_computation_lowered:
.L_overlay_start_0:
0x88: {  	s2 =	sld [smem:$0x3FD9]  }
0x89: {  	s3 =	sld [smem:$0x3FFE];
	_ =	sdelay $0x1  }
0x8a: {  	s1 =	srdreg.scid  }
0x8b: {  	s0 =	sand.u32 $0x1, s1  }
0x8c: {  	s18 =	sshll.u32 s0, $0xA;
	s2 =	sadd.s32 s3, s2  }
0x8d: {  	s2 =	sadd.s32 s2, s18  }
0x8e: {  	[smem:$0x3FC6] =	sst s2  }
0x8f: {  	_ = 	snop  }
0x90: {  	s2 =	sld [smem:$0x3FC9]  }
0x91: {  	s19 =	sld [smem:$0x3FC8]  }
0x92: {  	s4 =	sld [smem:$0x3FD0];
	(tm) =	ssettm $0x1  }
0x93: {  	s5 =	sld [smem:$0x3FFB];
	_ =	sdelay $0x3  }
0x94: {  	_ =	strace s5  }
0x95: {  	s5 =	sld [smem:$0x3FFC];
	_ =	sdelay $0x3  }
0x96: {  	_ =	strace s5  }
0x97: {  	s5 =	sld [smem:$0x3FFD];
	_ =	sdelay $0x3  }
0x98: {  	_ =	strace s5  }
0x99: {  	_ =	strace $0x8FFFFFFF  }
0x9a: {  	s20 =	sld [smem:$0x3FDB];
	_ =	sdelay $0x1  }
0x9b: {  	s6 =	simm.s32 $_scs_section_size  }
0x9c: {  	s7 =	simm.s32 $_size__tile_overlayer_lowered;
	s8 =	simm.s32 $_tile_overlayer_lowered  }
0x9d: {  	s23 =	simm.s32 $0x1BFF;
	s22 =	sshll.u32 s8, $0x1;
	s5 =	sadd.s32 s6, s20  }
0x9e: {  	s9 =	simm.s32 $0x0;
	s21 =	sshll.u32 s7, $0x1;
	s7 =	sadd.s32 s22, s5  }
0x9f: {  	[timem:s9], [sflag:s23] =	dma.local [hbm:s7], s21  }
0xa0: {  	_ =	swait.ge [sflag:s23], s21  }
0xa1: {  	s6 =	ssub.s32 $0x0, s21;
	[sflag:s23] =	ssyncset.done $0x0  }
0xa2: {  	[sflag:s23] =	ssyncadd.s32 s6;
	_ =	sdelay $0x1  }
0xa3: {  	s24 =	simm.s32 $0x1B8B  }
0xa4: {  	_ =	swait.ge [sflag:s24], $0x1  }
0xa5: {  	[sflag:s24] =	ssyncset.done $0x0  }
0xa6: {  	s25 =	simm.s32 $0x1B8E;
	[sflag:s24] =	ssyncadd.s32 $0xFFFFFFFF  }
0xa7: {  	s26 =	simm.s32 $execute0_lowered;
	[smem:$0x3FD2] =	sst s25  }
0xa8: {  	s6 =	sshll.u32 s26, $0x1;
	_ =	strace $0x80000046;
	[dreg:$0x1] =	wrdreg $0xFFFFFFFF  }
0xa9: {  	s28 =	simm.s32 $_size_execute0_lowered;
	s5 =	sadd.s32 s5, s6;
	[dreg:$0x0] =	wrdreg $0x0  }
0xaa: {  	s6 =	sshll.u32 s28, $0x1;
	[dreg:$0x2] =	wrdreg s5  }
0xab: {  	[dreg:$0x3] =	wrdreg s6  }
0xac: {  	[dreg:$0x4] =	wrdreg $0xC0  }
0xad: {  	_ =	task [dreg:s9], $0x5FFFF  }
0xae: {  	[dreg:$0x1] =	wrdreg $0xFFFFFFFF  }
0xaf: {  	[dreg:$0x0] =	wrdreg $0x60  }
0xb0: {  	[dreg:$0x2] =	wrdreg s19  }
0xb1: {  	[dreg:$0x3] =	wrdreg s2  }
0xb2: {  	[dreg:$0x4] =	wrdreg s4  }
0xb3: {  	[dreg:$0x5] =	wrdreg $0x9  }
0xb4: {  	_ =	task.clear_ibuf [dreg:s9], $0x6FFFF;
	_ =	strace $0x90000046  }
0xb5: {  	s29 =	simm.s32 $0x9;
	_ =	strace $0x80000048  }
0xb6: {  	_ =	swait.ge [sflag:s29], $0x1  }
0xb7: {  	[sflag:s29] =	ssyncadd.s32 $0xFFFFFFFF  }
0xb8: {  	_ =	strace $0x90000048  }
0xb9: {  	_ =	sfence  }
0xba: {  	s30 =	sld [smem:$0x0];
	_ =	sdelay $0x2  }
0xbb: {  	s31 =	sshll.u32 s1, $0xD;
	s1 =	sshrl.u32 s1, $0x2  }
0xbc: {  	s3 =	sand.u32 $0x4000, s31;
	s1 =	sadd.s32 s1, s30  }
0xbd: {  	s0 =	sor.u32 s3, s0;
	s1 =	sshll.u32 s1, $0x11  }
0xbe: {  	s0 =	sor.u32 s1, s0  }
0xbf: {  	s0 =	sadd.s32 $0x8F2B, s0  }
0xc0: {  	[sflag:s0] =	ssyncadd.remote.s32 $0x1  }
0xc1: {  	_ =	sfence.sel $0xFFFF  }
0xc2: {  	[dreg:$0x0] =	wrdreg $0xFFFFFFFF;
	(pc) =	sbr.abs _section_cstart, $3  }
0xc3: {  	[dreg:$0x1] =	wrdreg $0xFFFFFFFF  }
0xc4: {  	_ =	task.clear_ibuf [dreg:s9], $0x2FFFF;
	_ =	strace $0x9FFFFFFF  }
0xc5: {  	(tm) =	ssettm $0x7FFFFFFF  }
tec
execute0_lowered:
.L_overlay_start_1:
0x0: {  	(tag) =	ssettag $0x1  }
0x1: {  	s1 =	rddreg [dreg:$0x0]  }
0x2: {  	s0 =	srdreg.scid;
	s2 =	rddreg [dreg:$0x1]  }
0x3: {  	s3 =	stileid.u32;
	s4 =	rddreg [dreg:$0x2]  }
0x4: {  	s30 =	simm.s32 $0x9200;
	s31 =	simm.s32 $0x9A00;
	s9 =	simm.s32 $0xAA00  }
0x5: {  	s10 =	simm.s32 $0xBA00;
	s11 =	simm.s32 $0xC200;
	s12 =	simm.s32 $0xCA00  }
0x6: {  	s13 =	simm.s32 $0xD200;
	s14 =	simm.s32 $0xDA00;
	s15 =	simm.s32 $0xE200  }
0x7: {  	s16 =	simm.s32 $0xEA00;
	s17 =	simm.s32 $0xF200;
	s18 =	simm.s32 $0xFA00  }
0x8: {  	s19 =	simm.s32 $0x10200;
	s20 =	simm.s32 $0x10A00;
	s21 =	simm.s32 $0x11200  }
0x9: {  	s22 =	simm.s32 $0x11A00;
	s28 =	simm.s32 $0x12A00;
	s0 =	sand.u32 $0x1, s0  }
0xa: {  	s5 =	sshll.u32 s3, $0xA;
	s3 =	simm.s32 $0x0;
	s6 =	sshll.u32 s0, $0x9  }
0xb: {  	[smem:$0x7FF] =	sst s3;
	s0 =	ssub.s32 $0x2, s0;
	s5 =	sor.u32 s6, s5  }
0xc: {  	_ =	strace $0x80000047;
	s24 =	sshrl.u32 s0, $0x1;
	s6 =	sshrl.u32 s5, $0x3  }
0xd: {  	s5 =	sshll.u32 s5, $0x6;
	s0 =	ssub.s32 s0, s24;
	s2 =	sadd.s32 s2, s6  }
0xe: {  	s24 =	simm.s32 $0x200;
	s4 =	sadd.s32 s4, s5;
	[dreg:$0x4] =	wrdreg s2  }
0xf: {  	s5 =	sadd.s32 $0x100, s1;
	s23 =	sadd.s32 $0x1C00, s4;
	[dreg:$0x9] =	wrdreg s4  }
0x10: {  	s6 =	smax.u32 s0, $0x1;
	s25 =	sadd.s32 $0x3800, s4;
	[dreg:$0x5] =	wrdreg s23  }
0x11: {  	v2 =	vlaneseq.u32;
	s0 =	simm.s32 $0x3;
	s26 =	sadd.s32 $0x5400, s4;
	[dreg:$0x6] =	wrdreg s25  }
0x12: {  	vm0 =	vmmov $0xffff;
	v1 =	vshrl.u32 v2, $0x3;
	s29 =	sadd.s32 $0x7000, s4;
	s2 =	simm.s32 $0x1;
	[dreg:$0x7] =	wrdreg s26  }
0x13: {  	v0 =	vand.u32 $0x7, v2;
	v2 =	vor.u32 $0x8, v2;
	v1 =	vmul.u32 $0x8, v1;
	[dreg:$0x8] =	wrdreg s29;
	s23 =	simm.s32 $0x12200;
	s25 =	simm.s32 $0x13200  }
.LBB2_1:
0x14: {  	s26 =	rddreg [dreg:$0x4];
	s4 =	simm.s32 $0x5  }
0x15: {  	[tilespmem:s3], [sflag:$0x5] =	stream.linear.gather [hbm4b:s26+s3], $0x200, $0x38;
	[tilespmem:$0x1C200] =	vst v63  }
0x16: {  	_ =	swait.ge [sflag:s4], $0x200  }
0x17: {  	[sflag:s4] =	ssyncset.done $0x0  }
0x18: {  	[sflag:s4] =	ssyncadd.s32 $0xFFFFFE00  }
0x19: {  	v3 =	vld [tilespmem:$0x0];
	_ =	sdelay $0x4  }
0x1a: {  	v4 =	vshll.u32 v3, $0x2  }
0x1b: {  	v3 =	vand.u32 $0x7, v3;
	v4 =	vand.u32 $0xFFFFFFE0, v4  }
0x1c: {  	v3 =	vor.u32 v3, v4  }
0x1d: {  	v4 =	vperm.xlane v3, v0;
	_ =	sdelay $0x1  }
0x1e: {  	v4 =	vadd.s32 v1, v4;
	_ =	sdelay $0x1  }
0x1f: {  	v3 =	vperm.xlane v3, v2;
	_ =	sdelay $0x1  }
0x20: {  	v3 =	vadd.s32 v1, v3  }
0x21: {  	[tilespmem:s24], [sflag:$0x1] =	stream.indirect_vreg.gather [hbm4b:s1+s3], $0x80, v4, vm0, $0xb8;
	[tilespmem:$0x1C200] =	vst v63  }
0x22: {  	s26 =	simm.s32 $0xA00  }
0x23: {  	[tilespmem:s26], [sflag:$0x1] =	stream.indirect_vreg.gather [hbm4b:s5+s3], $0x80, v4, vm0, $0xb8;
	[tilespmem:$0x1C200] =	vst v63  }
0x24: {  	s29 =	simm.s32 $0x1200  }
0x25: {  	[tilespmem:s29], [sflag:$0x1] =	stream.indirect_vreg.gather [hbm4b:s1+s3], $0x80, v3, vm0, $0xb8;
	[tilespmem:$0x1C200] =	vst v63  }
0x26: {  	s7 =	simm.s32 $0x1A00  }
0x27: {  	[tilespmem:s7], [sflag:$0x1] =	stream.indirect_vreg.gather [hbm4b:s5+s3], $0x80, v3, vm0, $0xb8;
	[tilespmem:$0x1C200] =	vst v63  }
0x28: {  	v3 =	vld [tilespmem:$0x10];
	_ =	sdelay $0x4  }
0x29: {  	v33 =	vshll.u32 v3, $0x2  }
0x2a: {  	v3 =	vand.u32 $0x7, v3;
	v4 =	vand.u32 $0xFFFFFFE0, v33  }
0x2b: {  	v3 =	vor.u32 v3, v4  }
0x2c: {  	v4 =	vperm.xlane v3, v0;
	_ =	sdelay $0x1  }
0x2d: {  	v4 =	vadd.s32 v1, v4;
	_ =	sdelay $0x1  }
0x2e: {  	v3 =	vperm.xlane v3, v2;
	_ =	sdelay $0x1  }
0x2f: {  	s8 =	simm.s32 $0x2200;
	v3 =	vadd.s32 v1, v3  }
0x30: {  	[tilespmem:s8], [sflag:$0x1] =	stream.indirect_vreg.gather [hbm4b:s1+s3], $0x80, v4, vm0, $0xb8;
	[tilespmem:$0x1C200] =	vst v63  }
0x31: {  	s26 =	simm.s32 $0x2A00  }
0x32: {  	[tilespmem:s26], [sflag:$0x1] =	stream.indirect_vreg.gather [hbm4b:s5+s3], $0x80, v4, vm0, $0xb8;
	[tilespmem:$0x1C200] =	vst v63  }
0x33: {  	s29 =	simm.s32 $0x3200  }
0x34: {  	[tilespmem:s29], [sflag:$0x1] =	stream.indirect_vreg.gather [hbm4b:s1+s3], $0x80, v3, vm0, $0xb8;
	[tilespmem:$0x1C200] =	vst v63  }
0x35: {  	s7 =	simm.s32 $0x3A00  }
0x36: {  	[tilespmem:s7], [sflag:$0x1] =	stream.indirect_vreg.gather [hbm4b:s5+s3], $0x80, v3, vm0, $0xb8;
	[tilespmem:$0x1C200] =	vst v63  }
0x37: {  	v3 =	vld [tilespmem:$0x20];
	_ =	sdelay $0x4  }
0x38: {  	v34 =	vshll.u32 v3, $0x2  }
0x39: {  	v3 =	vand.u32 $0x7, v3;
	v4 =	vand.u32 $0xFFFFFFE0, v34  }
0x3a: {  	v3 =	vor.u32 v3, v4  }
0x3b: {  	v4 =	vperm.xlane v3, v0;
	_ =	sdelay $0x1  }
0x3c: {  	v4 =	vadd.s32 v1, v4;
	_ =	sdelay $0x1  }
0x3d: {  	v3 =	vperm.xlane v3, v2;
	_ =	sdelay $0x1  }
0x3e: {  	s8 =	simm.s32 $0x4200;
	v3 =	vadd.s32 v1, v3  }
0x3f: {  	[tilespmem:s8], [sflag:$0x1] =	stream.indirect_vreg.gather [hbm4b:s1+s3], $0x80, v4, vm0, $0xb8;
	[tilespmem:$0x1C200] =	vst v63  }
0x40: {  	s26 =	simm.s32 $0x4A00  }
0x41: {  	[tilespmem:s26], [sflag:$0x1] =	stream.indirect_vreg.gather [hbm4b:s5+s3], $0x80, v4, vm0, $0xb8;
	[tilespmem:$0x1C200] =	vst v63  }
0x42: {  	s29 =	simm.s32 $0x5200  }
0x43: {  	[tilespmem:s29], [sflag:$0x1] =	stream.indirect_vreg.gather [hbm4b:s1+s3], $0x80, v3, vm0, $0xb8;
	[tilespmem:$0x1C200] =	vst v63  }
0x44: {  	s7 =	simm.s32 $0x5A00  }
0x45: {  	[tilespmem:s7], [sflag:$0x1] =	stream.indirect_vreg.gather [hbm4b:s5+s3], $0x80, v3, vm0, $0xb8;
	[tilespmem:$0x1C200] =	vst v63  }
0x46: {  	v3 =	vld [tilespmem:$0x30];
	_ =	sdelay $0x4  }
0x47: {  	v35 =	vshll.u32 v3, $0x2  }
0x48: {  	v3 =	vand.u32 $0x7, v3;
	v4 =	vand.u32 $0xFFFFFFE0, v35  }
0x49: {  	v3 =	vor.u32 v3, v4  }
0x4a: {  	v4 =	vperm.xlane v3, v0;
	_ =	sdelay $0x1  }
0x4b: {  	v4 =	vadd.s32 v1, v4;
	_ =	sdelay $0x1  }
0x4c: {  	v3 =	vperm.xlane v3, v2;
	_ =	sdelay $0x1  }
0x4d: {  	s8 =	simm.s32 $0x6200;
	v3 =	vadd.s32 v1, v3  }
0x4e: {  	[tilespmem:s8], [sflag:$0x1] =	stream.indirect_vreg.gather [hbm4b:s1+s3], $0x80, v4, vm0, $0xb8;
	[tilespmem:$0x1C200] =	vst v63  }
0x4f: {  	s26 =	simm.s32 $0x6A00  }
0x50: {  	[tilespmem:s26], [sflag:$0x1] =	stream.indirect_vreg.gather [hbm4b:s5+s3], $0x80, v4, vm0, $0xb8;
	[tilespmem:$0x1C200] =	vst v63  }
0x51: {  	s29 =	simm.s32 $0x7200  }
0x52: {  	[tilespmem:s29], [sflag:$0x1] =	stream.indirect_vreg.gather [hbm4b:s1+s3], $0x80, v3, vm0, $0xb8;
	[tilespmem:$0x1C200] =	vst v63  }
0x53: {  	s7 =	simm.s32 $0x7A00  }
0x54: {  	[tilespmem:s7], [sflag:$0x1] =	stream.indirect_vreg.gather [hbm4b:s5+s3], $0x80, v3, vm0, $0xb8;
	[tilespmem:$0x1C200] =	vst v63  }
0x55: {  	v3 =	vld [tilespmem:$0x40];
	_ =	sdelay $0x4  }
0x56: {  	v36 =	vshll.u32 v3, $0x2  }
0x57: {  	v3 =	vand.u32 $0x7, v3;
	v4 =	vand.u32 $0xFFFFFFE0, v36  }
0x58: {  	v3 =	vor.u32 v3, v4  }
0x59: {  	v4 =	vperm.xlane v3, v0;
	_ =	sdelay $0x1  }
0x5a: {  	v4 =	vadd.s32 v1, v4;
	_ =	sdelay $0x1  }
0x5b: {  	v3 =	vperm.xlane v3, v2;
	_ =	sdelay $0x1  }
0x5c: {  	s26 =	simm.s32 $0x8200;
	v3 =	vadd.s32 v1, v3  }
0x5d: {  	[tilespmem:s26], [sflag:$0x1] =	stream.indirect_vreg.gather [hbm4b:s1+s3], $0x80, v4, vm0, $0xb8;
	[tilespmem:$0x1C200] =	vst v63  }
0x5e: {  	s4 =	simm.s32 $0x8A00  }
0x5f: {  	[tilespmem:s4], [sflag:$0x1] =	stream.indirect_vreg.gather [hbm4b:s5+s3], $0x80, v4, vm0, $0xb8;
	[tilespmem:$0x1C200] =	vst v63  }
0x60: {  	_ = 	snop  }
0x61: {  	[tilespmem:s30], [sflag:$0x1] =	stream.indirect_vreg.gather [hbm4b:s1+s3], $0x80, v3, vm0, $0xb8;
	[tilespmem:$0x1C200] =	vst v63  }
0x62: {  	_ = 	snop  }
0x63: {  	[tilespmem:s31], [sflag:$0x1] =	stream.indirect_vreg.gather [hbm4b:s5+s3], $0x80, v3, vm0, $0xb8;
	[tilespmem:$0x1C200] =	vst v63  }
0x64: {  	v3 =	vld [tilespmem:$0x50];
	_ =	sdelay $0x4  }
0x65: {  	v37 =	vshll.u32 v3, $0x2  }
0x66: {  	v3 =	vand.u32 $0x7, v3;
	v4 =	vand.u32 $0xFFFFFFE0, v37  }
0x67: {  	v3 =	vor.u32 v3, v4  }
0x68: {  	v4 =	vperm.xlane v3, v0;
	_ =	sdelay $0x1  }
0x69: {  	v4 =	vadd.s32 v1, v4;
	_ =	sdelay $0x1  }
0x6a: {  	v3 =	vperm.xlane v3, v2;
	_ =	sdelay $0x1  }
0x6b: {  	s7 =	simm.s32 $0xA200;
	v3 =	vadd.s32 v1, v3  }
0x6c: {  	[tilespmem:s7], [sflag:$0x1] =	stream.indirect_vreg.gather [hbm4b:s1+s3], $0x80, v4, vm0, $0xb8;
	[tilespmem:$0x1C200] =	vst v63  }
0x6d: {  	_ = 	snop  }
0x6e: {  	[tilespmem:s9], [sflag:$0x1] =	stream.indirect_vreg.gather [hbm4b:s5+s3], $0x80, v4, vm0, $0xb8;
	[tilespmem:$0x1C200] =	vst v63  }
0x6f: {  	s8 =	simm.s32 $0xB200  }
0x70: {  	[tilespmem:s8], [sflag:$0x1] =	stream.indirect_vreg.gather [hbm4b:s1+s3], $0x80, v3, vm0, $0xb8;
	[tilespmem:$0x1C200] =	vst v63  }
0x71: {  	_ = 	snop  }
0x72: {  	[tilespmem:s10], [sflag:$0x1] =	stream.indirect_vreg.gather [hbm4b:s5+s3], $0x80, v3, vm0, $0xb8;
	[tilespmem:$0x1C200] =	vst v63  }
0x73: {  	v3 =	vld [tilespmem:$0x60];
	_ =	sdelay $0x4  }
0x74: {  	v38 =	vshll.u32 v3, $0x2  }
0x75: {  	v3 =	vand.u32 $0x7, v3;
	v4 =	vand.u32 $0xFFFFFFE0, v38  }
0x76: {  	v3 =	vor.u32 v3, v4  }
0x77: {  	v4 =	vperm.xlane v3, v0;
	_ =	sdelay $0x1  }
0x78: {  	v4 =	vadd.s32 v1, v4;
	_ =	sdelay $0x1  }
0x79: {  	v3 =	vperm.xlane v3, v2;
	_ =	sdelay $0x1  }
0x7a: {  	v3 =	vadd.s32 v1, v3  }
0x7b: {  	[tilespmem:s11], [sflag:$0x1] =	stream.indirect_vreg.gather [hbm4b:s1+s3], $0x80, v4, vm0, $0xb8;
	[tilespmem:$0x1C200] =	vst v63  }
0x7c: {  	_ = 	snop  }
0x7d: {  	[tilespmem:s12], [sflag:$0x1] =	stream.indirect_vreg.gather [hbm4b:s5+s3], $0x80, v4, vm0, $0xb8;
	[tilespmem:$0x1C200] =	vst v63  }
0x7e: {  	_ = 	snop  }
0x7f: {  	[tilespmem:s13], [sflag:$0x1] =	stream.indirect_vreg.gather [hbm4b:s1+s3], $0x80, v3, vm0, $0xb8;
	[tilespmem:$0x1C200] =	vst v63  }
0x80: {  	_ = 	snop  }
0x81: {  	[tilespmem:s14], [sflag:$0x1] =	stream.indirect_vreg.gather [hbm4b:s5+s3], $0x80, v3, vm0, $0xb8;
	[tilespmem:$0x1C200] =	vst v63  }
0x82: {  	v3 =	vld [tilespmem:$0x70];
	_ =	sdelay $0x4  }
0x83: {  	v39 =	vshll.u32 v3, $0x2  }
0x84: {  	v3 =	vand.u32 $0x7, v3;
	v4 =	vand.u32 $0xFFFFFFE0, v39  }
0x85: {  	v3 =	vor.u32 v3, v4  }
0x86: {  	v4 =	vperm.xlane v3, v0;
	_ =	sdelay $0x1  }
0x87: {  	v4 =	vadd.s32 v1, v4;
	_ =	sdelay $0x1  }
0x88: {  	v3 =	vperm.xlane v3, v2;
	_ =	sdelay $0x1  }
0x89: {  	v3 =	vadd.s32 v1, v3  }
0x8a: {  	[tilespmem:s15], [sflag:$0x2] =	stream.indirect_vreg.gather [hbm4b:s1+s3], $0x80, v4, vm0, $0xb8;
	[tilespmem:$0x1C200] =	vst v63  }
0x8b: {  	_ = 	snop  }
0x8c: {  	[tilespmem:s16], [sflag:$0x2] =	stream.indirect_vreg.gather [hbm4b:s5+s3], $0x80, v4, vm0, $0xb8;
	[tilespmem:$0x1C200] =	vst v63  }
0x8d: {  	_ = 	snop  }
0x8e: {  	[tilespmem:s17], [sflag:$0x2] =	stream.indirect_vreg.gather [hbm4b:s1+s3], $0x80, v3, vm0, $0xb8;
	[tilespmem:$0x1C200] =	vst v63  }
0x8f: {  	_ = 	snop  }
0x90: {  	[tilespmem:s18], [sflag:$0x2] =	stream.indirect_vreg.gather [hbm4b:s5+s3], $0x80, v3, vm0, $0xb8;
	[tilespmem:$0x1C200] =	vst v63  }
0x91: {  	v3 =	vld [tilespmem:$0x80];
	_ =	sdelay $0x4  }
0x92: {  	v40 =	vshll.u32 v3, $0x2  }
0x93: {  	v3 =	vand.u32 $0x7, v3;
	v4 =	vand.u32 $0xFFFFFFE0, v40  }
0x94: {  	v3 =	vor.u32 v3, v4  }
0x95: {  	v4 =	vperm.xlane v3, v0;
	_ =	sdelay $0x1  }
0x96: {  	v4 =	vadd.s32 v1, v4;
	_ =	sdelay $0x1  }
0x97: {  	v3 =	vperm.xlane v3, v2;
	_ =	sdelay $0x1  }
0x98: {  	v3 =	vadd.s32 v1, v3  }
0x99: {  	[tilespmem:s19], [sflag:$0x2] =	stream.indirect_vreg.gather [hbm4b:s1+s3], $0x80, v4, vm0, $0xb8;
	[tilespmem:$0x1C200] =	vst v63  }
0x9a: {  	_ = 	snop  }
0x9b: {  	[tilespmem:s20], [sflag:$0x2] =	stream.indirect_vreg.gather [hbm4b:s5+s3], $0x80, v4, vm0, $0xb8;
	[tilespmem:$0x1C200] =	vst v63  }
0x9c: {  	_ = 	snop  }
0x9d: {  	[tilespmem:s21], [sflag:$0x2] =	stream.indirect_vreg.gather [hbm4b:s1+s3], $0x80, v3, vm0, $0xb8;
	[tilespmem:$0x1C200] =	vst v63  }
0x9e: {  	_ = 	snop  }
0x9f: {  	[tilespmem:s22], [sflag:$0x2] =	stream.indirect_vreg.gather [hbm4b:s5+s3], $0x80, v3, vm0, $0xb8;
	[tilespmem:$0x1C200] =	vst v63  }
0xa0: {  	v3 =	vld [tilespmem:$0x90];
	_ =	sdelay $0x4  }
0xa1: {  	v41 =	vshll.u32 v3, $0x2  }
0xa2: {  	v3 =	vand.u32 $0x7, v3;
	v4 =	vand.u32 $0xFFFFFFE0, v41  }
0xa3: {  	v3 =	vor.u32 v3, v4  }
0xa4: {  	v4 =	vperm.xlane v3, v0;
	_ =	sdelay $0x1  }
0xa5: {  	v4 =	vadd.s32 v1, v4;
	_ =	sdelay $0x1  }
0xa6: {  	v3 =	vperm.xlane v3, v2;
	_ =	sdelay $0x1  }
0xa7: {  	v3 =	vadd.s32 v1, v3  }
0xa8: {  	[tilespmem:s23], [sflag:$0x2] =	stream.indirect_vreg.gather [hbm4b:s1+s3], $0x80, v4, vm0, $0xb8;
	[tilespmem:$0x1C200] =	vst v63  }
0xa9: {  	_ = 	snop  }
0xaa: {  	[tilespmem:s28], [sflag:$0x2] =	stream.indirect_vreg.gather [hbm4b:s5+s3], $0x80, v4, vm0, $0xb8;
	[tilespmem:$0x1C200] =	vst v63  }
0xab: {  	_ = 	snop  }
0xac: {  	[tilespmem:s25], [sflag:$0x2] =	stream.indirect_vreg.gather [hbm4b:s1+s3], $0x80, v3, vm0, $0xb8;
	[tilespmem:$0x1C200] =	vst v63  }
0xad: {  	s29 =	simm.s32 $0x13A00  }
0xae: {  	[tilespmem:s29], [sflag:$0x2] =	stream.indirect_vreg.gather [hbm4b:s5+s3], $0x80, v3, vm0, $0xb8;
	[tilespmem:$0x1C200] =	vst v63  }
0xaf: {  	v3 =	vld [tilespmem:$0xA0];
	_ =	sdelay $0x4  }
0xb0: {  	v42 =	vshll.u32 v3, $0x2  }
0xb1: {  	v3 =	vand.u32 $0x7, v3;
	v4 =	vand.u32 $0xFFFFFFE0, v42  }
0xb2: {  	v3 =	vor.u32 v3, v4  }
0xb3: {  	v4 =	vperm.xlane v3, v0;
	_ =	sdelay $0x1  }
0xb4: {  	v4 =	vadd.s32 v1, v4;
	_ =	sdelay $0x1  }
0xb5: {  	v3 =	vperm.xlane v3, v2;
	_ =	sdelay $0x1  }
0xb6: {  	s29 =	simm.s32 $0x14200;
	v3 =	vadd.s32 v1, v3  }
0xb7: {  	[tilespmem:s29], [sflag:$0x2] =	stream.indirect_vreg.gather [hbm4b:s1+s3], $0x80, v4, vm0, $0xb8;
	[tilespmem:$0x1C200] =	vst v63  }
0xb8: {  	s29 =	simm.s32 $0x14A00  }
0xb9: {  	[tilespmem:s29], [sflag:$0x2] =	stream.indirect_vreg.gather [hbm4b:s5+s3], $0x80, v4, vm0, $0xb8;
	[tilespmem:$0x1C200] =	vst v63  }
0xba: {  	s29 =	simm.s32 $0x15200  }
0xbb: {  	[tilespmem:s29], [sflag:$0x2] =	stream.indirect_vreg.gather [hbm4b:s1+s3], $0x80, v3, vm0, $0xb8;
	[tilespmem:$0x1C200] =	vst v63  }
0xbc: {  	s29 =	simm.s32 $0x15A00  }
0xbd: {  	[tilespmem:s29], [sflag:$0x2] =	stream.indirect_vreg.gather [hbm4b:s5+s3], $0x80, v3, vm0, $0xb8;
	[tilespmem:$0x1C200] =	vst v63  }
0xbe: {  	v3 =	vld [tilespmem:$0xB0];
	_ =	sdelay $0x4  }
0xbf: {  	v43 =	vshll.u32 v3, $0x2  }
0xc0: {  	v3 =	vand.u32 $0x7, v3;
	v4 =	vand.u32 $0xFFFFFFE0, v43  }
0xc1: {  	v3 =	vor.u32 v3, v4  }
0xc2: {  	v4 =	vperm.xlane v3, v0;
	_ =	sdelay $0x1  }
0xc3: {  	v4 =	vadd.s32 v1, v4;
	_ =	sdelay $0x1  }
0xc4: {  	v3 =	vperm.xlane v3, v2;
	_ =	sdelay $0x1  }
0xc5: {  	s29 =	simm.s32 $0x16200;
	v3 =	vadd.s32 v1, v3  }
0xc6: {  	[tilespmem:s29], [sflag:$0x2] =	stream.indirect_vreg.gather [hbm4b:s1+s3], $0x80, v4, vm0, $0xb8;
	[tilespmem:$0x1C200] =	vst v63  }
0xc7: {  	s29 =	simm.s32 $0x16A00  }
0xc8: {  	[tilespmem:s29], [sflag:$0x2] =	stream.indirect_vreg.gather [hbm4b:s5+s3], $0x80, v4, vm0, $0xb8;
	[tilespmem:$0x1C200] =	vst v63  }
0xc9: {  	s29 =	simm.s32 $0x17200  }
0xca: {  	[tilespmem:s29], [sflag:$0x2] =	stream.indirect_vreg.gather [hbm4b:s1+s3], $0x80, v3, vm0, $0xb8;
	[tilespmem:$0x1C200] =	vst v63  }
0xcb: {  	s29 =	simm.s32 $0x17A00  }
0xcc: {  	[tilespmem:s29], [sflag:$0x2] =	stream.indirect_vreg.gather [hbm4b:s5+s3], $0x80, v3, vm0, $0xb8;
	[tilespmem:$0x1C200] =	vst v63  }
0xcd: {  	v3 =	vld [tilespmem:$0xC0];
	_ =	sdelay $0x4  }
0xce: {  	v44 =	vshll.u32 v3, $0x2  }
0xcf: {  	v3 =	vand.u32 $0x7, v3;
	v4 =	vand.u32 $0xFFFFFFE0, v44  }
0xd0: {  	v3 =	vor.u32 v3, v4  }
0xd1: {  	v4 =	vperm.xlane v3, v0;
	_ =	sdelay $0x1  }
0xd2: {  	v4 =	vadd.s32 v1, v4;
	_ =	sdelay $0x1  }
0xd3: {  	v3 =	vperm.xlane v3, v2;
	_ =	sdelay $0x1  }
0xd4: {  	s29 =	simm.s32 $0x18200;
	v3 =	vadd.s32 v1, v3  }
0xd5: {  	[tilespmem:s29], [sflag:$0x2] =	stream.indirect_vreg.gather [hbm4b:s1+s3], $0x80, v4, vm0, $0xb8;
	[tilespmem:$0x1C200] =	vst v63  }
0xd6: {  	s29 =	simm.s32 $0x18A00  }
0xd7: {  	[tilespmem:s29], [sflag:$0x2] =	stream.indirect_vreg.gather [hbm4b:s5+s3], $0x80, v4, vm0, $0xb8;
	[tilespmem:$0x1C200] =	vst v63  }
0xd8: {  	s29 =	simm.s32 $0x19200  }
0xd9: {  	[tilespmem:s29], [sflag:$0x2] =	stream.indirect_vreg.gather [hbm4b:s1+s3], $0x80, v3, vm0, $0xb8;
	[tilespmem:$0x1C200] =	vst v63  }
0xda: {  	s29 =	simm.s32 $0x19A00  }
0xdb: {  	[tilespmem:s29], [sflag:$0x2] =	stream.indirect_vreg.gather [hbm4b:s5+s3], $0x80, v3, vm0, $0xb8;
	[tilespmem:$0x1C200] =	vst v63  }
0xdc: {  	v3 =	vld [tilespmem:$0xD0];
	_ =	sdelay $0x4  }
0xdd: {  	v45 =	vshll.u32 v3, $0x2  }
0xde: {  	v3 =	vand.u32 $0x7, v3;
	v4 =	vand.u32 $0xFFFFFFE0, v45  }
0xdf: {  	v3 =	vor.u32 v3, v4  }
0xe0: {  	v4 =	vperm.xlane v3, v0;
	_ =	sdelay $0x1  }
0xe1: {  	v4 =	vadd.s32 v1, v4;
	_ =	sdelay $0x1  }
0xe2: {  	v3 =	vperm.xlane v3, v2;
	_ =	sdelay $0x1  }
0xe3: {  	s29 =	simm.s32 $0x1A200;
	v3 =	vadd.s32 v1, v3  }
0xe4: {  	[tilespmem:s29], [sflag:$0x2] =	stream.indirect_vreg.gather [hbm4b:s1+s3], $0x80, v4, vm0, $0xb8;
	[tilespmem:$0x1C200] =	vst v63  }
0xe5: {  	s29 =	simm.s32 $0x1AA00  }
0xe6: {  	[tilespmem:s29], [sflag:$0x2] =	stream.indirect_vreg.gather [hbm4b:s5+s3], $0x80, v4, vm0, $0xb8;
	[tilespmem:$0x1C200] =	vst v63  }
0xe7: {  	s29 =	simm.s32 $0x1B200  }
0xe8: {  	[tilespmem:s29], [sflag:$0x2] =	stream.indirect_vreg.gather [hbm4b:s1+s3], $0x80, v3, vm0, $0xb8;
	[tilespmem:$0x1C200] =	vst v63  }
0xe9: {  	s29 =	simm.s32 $0x1BA00  }
0xea: {  	[tilespmem:s29], [sflag:$0x2] =	stream.indirect_vreg.gather [hbm4b:s5+s3], $0x80, v3, vm0, $0xb8;
	[tilespmem:$0x1C200] =	vst v63  }
0xeb: {  	_ =	swait.ge [sflag:s2], $0xE000  }
0xec: {  	[sflag:s2] =	ssyncset.done $0x0  }
0xed: {  	s29 =	rddreg [dreg:$0x9];
	[sflag:s2] =	ssyncadd.s32 $0xFFFF2000  }
0xee: {  	[hbm4b:s29+s3] =	stream.linear.scatter [tilespmem:s24], [sflag:$0x3], $0xE000, $0x38;
	[tilespmem:$0x1C200] =	vst v63  }
0xef: {  	_ =	swait.ge [sflag:s0], $0xE000  }
0xf0: {  	[sflag:s0] =	ssyncset.done $0x0  }
0xf1: {  	[sflag:s0] =	ssyncadd.s32 $0xFFFF2000  }
0xf2: {  	v3 =	vld [tilespmem:$0xE0];
	_ =	sdelay $0x4  }
0xf3: {  	v46 =	vshll.u32 v3, $0x2  }
0xf4: {  	v3 =	vand.u32 $0x7, v3;
	v4 =	vand.u32 $0xFFFFFFE0, v46  }
0xf5: {  	v3 =	vor.u32 v3, v4  }
0xf6: {  	v4 =	vperm.xlane v3, v0;
	_ =	sdelay $0x1  }
0xf7: {  	v4 =	vadd.s32 v1, v4;
	_ =	sdelay $0x1  }
0xf8: {  	v3 =	vperm.xlane v3, v2;
	_ =	sdelay $0x1  }
0xf9: {  	v3 =	vadd.s32 v1, v3  }
0xfa: {  	[tilespmem:s24], [sflag:$0x1] =	stream.indirect_vreg.gather [hbm4b:s1+s3], $0x80, v4, vm0, $0xb8;
	[tilespmem:$0x1C200] =	vst v63  }
0xfb: {  	s29 =	simm.s32 $0xA00  }
0xfc: {  	[tilespmem:s29], [sflag:$0x1] =	stream.indirect_vreg.gather [hbm4b:s5+s3], $0x80, v4, vm0, $0xb8;
	[tilespmem:$0x1C200] =	vst v63  }
0xfd: {  	s29 =	simm.s32 $0x1200  }
0xfe: {  	[tilespmem:s29], [sflag:$0x1] =	stream.indirect_vreg.gather [hbm4b:s1+s3], $0x80, v3, vm0, $0xb8;
	[tilespmem:$0x1C200] =	vst v63  }
0xff: {  	s29 =	simm.s32 $0x1A00  }
0x100: {  	[tilespmem:s29], [sflag:$0x1] =	stream.indirect_vreg.gather [hbm4b:s5+s3], $0x80, v3, vm0, $0xb8;
	[tilespmem:$0x1C200] =	vst v63  }
0x101: {  	v3 =	vld [tilespmem:$0xF0];
	_ =	sdelay $0x4  }
0x102: {  	v47 =	vshll.u32 v3, $0x2  }
0x103: {  	v3 =	vand.u32 $0x7, v3;
	v4 =	vand.u32 $0xFFFFFFE0, v47  }
0x104: {  	v3 =	vor.u32 v3, v4  }
0x105: {  	v4 =	vperm.xlane v3, v0;
	_ =	sdelay $0x1  }
0x106: {  	v4 =	vadd.s32 v1, v4;
	_ =	sdelay $0x1  }
0x107: {  	v3 =	vperm.xlane v3, v2;
	_ =	sdelay $0x1  }
0x108: {  	s29 =	simm.s32 $0x2200;
	v3 =	vadd.s32 v1, v3  }
0x109: {  	[tilespmem:s29], [sflag:$0x1] =	stream.indirect_vreg.gather [hbm4b:s1+s3], $0x80, v4, vm0, $0xb8;
	[tilespmem:$0x1C200] =	vst v63  }
0x10a: {  	s29 =	simm.s32 $0x2A00  }
0x10b: {  	[tilespmem:s29], [sflag:$0x1] =	stream.indirect_vreg.gather [hbm4b:s5+s3], $0x80, v4, vm0, $0xb8;
	[tilespmem:$0x1C200] =	vst v63  }
0x10c: {  	s29 =	simm.s32 $0x3200  }
0x10d: {  	[tilespmem:s29], [sflag:$0x1] =	stream.indirect_vreg.gather [hbm4b:s1+s3], $0x80, v3, vm0, $0xb8;
	[tilespmem:$0x1C200] =	vst v63  }
0x10e: {  	s29 =	simm.s32 $0x3A00  }
0x10f: {  	[tilespmem:s29], [sflag:$0x1] =	stream.indirect_vreg.gather [hbm4b:s5+s3], $0x80, v3, vm0, $0xb8;
	[tilespmem:$0x1C200] =	vst v63  }
0x110: {  	v3 =	vld [tilespmem:$0x100];
	_ =	sdelay $0x4  }
0x111: {  	v48 =	vshll.u32 v3, $0x2  }
0x112: {  	v3 =	vand.u32 $0x7, v3;
	v4 =	vand.u32 $0xFFFFFFE0, v48  }
0x113: {  	v3 =	vor.u32 v3, v4  }
0x114: {  	v4 =	vperm.xlane v3, v0;
	_ =	sdelay $0x1  }
0x115: {  	v4 =	vadd.s32 v1, v4;
	_ =	sdelay $0x1  }
0x116: {  	v3 =	vperm.xlane v3, v2;
	_ =	sdelay $0x1  }
0x117: {  	s29 =	simm.s32 $0x4200;
	v3 =	vadd.s32 v1, v3  }
0x118: {  	[tilespmem:s29], [sflag:$0x1] =	stream.indirect_vreg.gather [hbm4b:s1+s3], $0x80, v4, vm0, $0xb8;
	[tilespmem:$0x1C200] =	vst v63  }
0x119: {  	s29 =	simm.s32 $0x4A00  }
0x11a: {  	[tilespmem:s29], [sflag:$0x1] =	stream.indirect_vreg.gather [hbm4b:s5+s3], $0x80, v4, vm0, $0xb8;
	[tilespmem:$0x1C200] =	vst v63  }
0x11b: {  	s29 =	simm.s32 $0x5200  }
0x11c: {  	[tilespmem:s29], [sflag:$0x1] =	stream.indirect_vreg.gather [hbm4b:s1+s3], $0x80, v3, vm0, $0xb8;
	[tilespmem:$0x1C200] =	vst v63  }
0x11d: {  	s29 =	simm.s32 $0x5A00  }
0x11e: {  	[tilespmem:s29], [sflag:$0x1] =	stream.indirect_vreg.gather [hbm4b:s5+s3], $0x80, v3, vm0, $0xb8;
	[tilespmem:$0x1C200] =	vst v63  }
0x11f: {  	v3 =	vld [tilespmem:$0x110];
	_ =	sdelay $0x4  }
0x120: {  	v49 =	vshll.u32 v3, $0x2  }
0x121: {  	v3 =	vand.u32 $0x7, v3;
	v4 =	vand.u32 $0xFFFFFFE0, v49  }
0x122: {  	v3 =	vor.u32 v3, v4  }
0x123: {  	v4 =	vperm.xlane v3, v0;
	_ =	sdelay $0x1  }
0x124: {  	v4 =	vadd.s32 v1, v4;
	_ =	sdelay $0x1  }
0x125: {  	v3 =	vperm.xlane v3, v2;
	_ =	sdelay $0x1  }
0x126: {  	s29 =	simm.s32 $0x6200;
	v3 =	vadd.s32 v1, v3  }
0x127: {  	[tilespmem:s29], [sflag:$0x1] =	stream.indirect_vreg.gather [hbm4b:s1+s3], $0x80, v4, vm0, $0xb8;
	[tilespmem:$0x1C200] =	vst v63  }
0x128: {  	s29 =	simm.s32 $0x6A00  }
0x129: {  	[tilespmem:s29], [sflag:$0x1] =	stream.indirect_vreg.gather [hbm4b:s5+s3], $0x80, v4, vm0, $0xb8;
	[tilespmem:$0x1C200] =	vst v63  }
0x12a: {  	s29 =	simm.s32 $0x7200  }
0x12b: {  	[tilespmem:s29], [sflag:$0x1] =	stream.indirect_vreg.gather [hbm4b:s1+s3], $0x80, v3, vm0, $0xb8;
	[tilespmem:$0x1C200] =	vst v63  }
0x12c: {  	s29 =	simm.s32 $0x7A00  }
0x12d: {  	[tilespmem:s29], [sflag:$0x1] =	stream.indirect_vreg.gather [hbm4b:s5+s3], $0x80, v3, vm0, $0xb8;
	[tilespmem:$0x1C200] =	vst v63  }
0x12e: {  	v3 =	vld [tilespmem:$0x120];
	_ =	sdelay $0x4  }
0x12f: {  	v50 =	vshll.u32 v3, $0x2  }
0x130: {  	v3 =	vand.u32 $0x7, v3;
	v4 =	vand.u32 $0xFFFFFFE0, v50  }
0x131: {  	v3 =	vor.u32 v3, v4  }
0x132: {  	v4 =	vperm.xlane v3, v0;
	_ =	sdelay $0x1  }
0x133: {  	v4 =	vadd.s32 v1, v4;
	_ =	sdelay $0x1  }
0x134: {  	v3 =	vperm.xlane v3, v2;
	_ =	sdelay $0x1  }
0x135: {  	v3 =	vadd.s32 v1, v3  }
0x136: {  	[tilespmem:s26], [sflag:$0x1] =	stream.indirect_vreg.gather [hbm4b:s1+s3], $0x80, v4, vm0, $0xb8;
	[tilespmem:$0x1C200] =	vst v63  }
0x137: {  	_ = 	snop  }
0x138: {  	[tilespmem:s4], [sflag:$0x1] =	stream.indirect_vreg.gather [hbm4b:s5+s3], $0x80, v4, vm0, $0xb8;
	[tilespmem:$0x1C200] =	vst v63  }
0x139: {  	_ = 	snop  }
0x13a: {  	[tilespmem:s30], [sflag:$0x1] =	stream.indirect_vreg.gather [hbm4b:s1+s3], $0x80, v3, vm0, $0xb8;
	[tilespmem:$0x1C200] =	vst v63  }
0x13b: {  	_ = 	snop  }
0x13c: {  	[tilespmem:s31], [sflag:$0x1] =	stream.indirect_vreg.gather [hbm4b:s5+s3], $0x80, v3, vm0, $0xb8;
	[tilespmem:$0x1C200] =	vst v63  }
0x13d: {  	v3 =	vld [tilespmem:$0x130];
	_ =	sdelay $0x4  }
0x13e: {  	v51 =	vshll.u32 v3, $0x2  }
0x13f: {  	v3 =	vand.u32 $0x7, v3;
	v4 =	vand.u32 $0xFFFFFFE0, v51  }
0x140: {  	v3 =	vor.u32 v3, v4  }
0x141: {  	v4 =	vperm.xlane v3, v0;
	_ =	sdelay $0x1  }
0x142: {  	v4 =	vadd.s32 v1, v4;
	_ =	sdelay $0x1  }
0x143: {  	v3 =	vperm.xlane v3, v2;
	_ =	sdelay $0x1  }
0x144: {  	v3 =	vadd.s32 v1, v3  }
0x145: {  	[tilespmem:s7], [sflag:$0x1] =	stream.indirect_vreg.gather [hbm4b:s1+s3], $0x80, v4, vm0, $0xb8;
	[tilespmem:$0x1C200] =	vst v63  }
0x146: {  	_ = 	snop  }
0x147: {  	[tilespmem:s9], [sflag:$0x1] =	stream.indirect_vreg.gather [hbm4b:s5+s3], $0x80, v4, vm0, $0xb8;
	[tilespmem:$0x1C200] =	vst v63  }
0x148: {  	_ = 	snop  }
0x149: {  	[tilespmem:s8], [sflag:$0x1] =	stream.indirect_vreg.gather [hbm4b:s1+s3], $0x80, v3, vm0, $0xb8;
	[tilespmem:$0x1C200] =	vst v63  }
0x14a: {  	_ = 	snop  }
0x14b: {  	[tilespmem:s10], [sflag:$0x1] =	stream.indirect_vreg.gather [hbm4b:s5+s3], $0x80, v3, vm0, $0xb8;
	[tilespmem:$0x1C200] =	vst v63  }
0x14c: {  	v3 =	vld [tilespmem:$0x140];
	_ =	sdelay $0x4  }
0x14d: {  	v52 =	vshll.u32 v3, $0x2  }
0x14e: {  	v3 =	vand.u32 $0x7, v3;
	v4 =	vand.u32 $0xFFFFFFE0, v52  }
0x14f: {  	v3 =	vor.u32 v3, v4  }
0x150: {  	v4 =	vperm.xlane v3, v0;
	_ =	sdelay $0x1  }
0x151: {  	v4 =	vadd.s32 v1, v4;
	_ =	sdelay $0x1  }
0x152: {  	v3 =	vperm.xlane v3, v2;
	_ =	sdelay $0x1  }
0x153: {  	v3 =	vadd.s32 v1, v3  }
0x154: {  	[tilespmem:s11], [sflag:$0x1] =	stream.indirect_vreg.gather [hbm4b:s1+s3], $0x80, v4, vm0, $0xb8;
	[tilespmem:$0x1C200] =	vst v63  }
0x155: {  	_ = 	snop  }
0x156: {  	[tilespmem:s12], [sflag:$0x1] =	stream.indirect_vreg.gather [hbm4b:s5+s3], $0x80, v4, vm0, $0xb8;
	[tilespmem:$0x1C200] =	vst v63  }
0x157: {  	_ = 	snop  }
0x158: {  	[tilespmem:s13], [sflag:$0x1] =	stream.indirect_vreg.gather [hbm4b:s1+s3], $0x80, v3, vm0, $0xb8;
	[tilespmem:$0x1C200] =	vst v63  }
0x159: {  	s4 =	simm.s32 $0x2  }
0x15a: {  	[tilespmem:s14], [sflag:$0x1] =	stream.indirect_vreg.gather [hbm4b:s5+s3], $0x80, v3, vm0, $0xb8;
	[tilespmem:$0x1C200] =	vst v63  }
0x15b: {  	_ =	swait.ge [sflag:s4], $0xE000  }
0x15c: {  	[sflag:s4] =	ssyncset.done $0x0  }
0x15d: {  	s7 =	simm.s32 $0x4;
	s8 =	rddreg [dreg:$0x5];
	[sflag:s4] =	ssyncadd.s32 $0xFFFF2000  }
0x15e: {  	[hbm4b:s8+s3] =	stream.linear.scatter [tilespmem:s15], [sflag:$0x4], $0xE000, $0x38;
	[tilespmem:$0x1C200] =	vst v63  }
0x15f: {  	_ =	swait.ge [sflag:s7], $0xE000  }
0x160: {  	[sflag:s7] =	ssyncset.done $0x0  }
0x161: {  	[sflag:s7] =	ssyncadd.s32 $0xFFFF2000  }
0x162: {  	v3 =	vld [tilespmem:$0x150];
	_ =	sdelay $0x4  }
0x163: {  	v53 =	vshll.u32 v3, $0x2  }
0x164: {  	v3 =	vand.u32 $0x7, v3;
	v4 =	vand.u32 $0xFFFFFFE0, v53  }
0x165: {  	v3 =	vor.u32 v3, v4  }
0x166: {  	v4 =	vperm.xlane v3, v0;
	_ =	sdelay $0x1  }
0x167: {  	v4 =	vadd.s32 v1, v4;
	_ =	sdelay $0x1  }
0x168: {  	v3 =	vperm.xlane v3, v2;
	_ =	sdelay $0x1  }
0x169: {  	v3 =	vadd.s32 v1, v3  }
0x16a: {  	[tilespmem:s15], [sflag:$0x2] =	stream.indirect_vreg.gather [hbm4b:s1+s3], $0x80, v4, vm0, $0xb8;
	[tilespmem:$0x1C200] =	vst v63  }
0x16b: {  	_ = 	snop  }
0x16c: {  	[tilespmem:s16], [sflag:$0x2] =	stream.indirect_vreg.gather [hbm4b:s5+s3], $0x80, v4, vm0, $0xb8;
	[tilespmem:$0x1C200] =	vst v63  }
0x16d: {  	_ = 	snop  }
0x16e: {  	[tilespmem:s17], [sflag:$0x2] =	stream.indirect_vreg.gather [hbm4b:s1+s3], $0x80, v3, vm0, $0xb8;
	[tilespmem:$0x1C200] =	vst v63  }
0x16f: {  	_ = 	snop  }
0x170: {  	[tilespmem:s18], [sflag:$0x2] =	stream.indirect_vreg.gather [hbm4b:s5+s3], $0x80, v3, vm0, $0xb8;
	[tilespmem:$0x1C200] =	vst v63  }
0x171: {  	v3 =	vld [tilespmem:$0x160];
	_ =	sdelay $0x4  }
0x172: {  	v54 =	vshll.u32 v3, $0x2  }
0x173: {  	v3 =	vand.u32 $0x7, v3;
	v4 =	vand.u32 $0xFFFFFFE0, v54  }
0x174: {  	v3 =	vor.u32 v3, v4  }
0x175: {  	v4 =	vperm.xlane v3, v0;
	_ =	sdelay $0x1  }
0x176: {  	v4 =	vadd.s32 v1, v4;
	_ =	sdelay $0x1  }
0x177: {  	v3 =	vperm.xlane v3, v2;
	_ =	sdelay $0x1  }
0x178: {  	v3 =	vadd.s32 v1, v3  }
0x179: {  	[tilespmem:s19], [sflag:$0x2] =	stream.indirect_vreg.gather [hbm4b:s1+s3], $0x80, v4, vm0, $0xb8;
	[tilespmem:$0x1C200] =	vst v63  }
0x17a: {  	_ = 	snop  }
0x17b: {  	[tilespmem:s20], [sflag:$0x2] =	stream.indirect_vreg.gather [hbm4b:s5+s3], $0x80, v4, vm0, $0xb8;
	[tilespmem:$0x1C200] =	vst v63  }
0x17c: {  	_ = 	snop  }
0x17d: {  	[tilespmem:s21], [sflag:$0x2] =	stream.indirect_vreg.gather [hbm4b:s1+s3], $0x80, v3, vm0, $0xb8;
	[tilespmem:$0x1C200] =	vst v63  }
0x17e: {  	_ = 	snop  }
0x17f: {  	[tilespmem:s22], [sflag:$0x2] =	stream.indirect_vreg.gather [hbm4b:s5+s3], $0x80, v3, vm0, $0xb8;
	[tilespmem:$0x1C200] =	vst v63  }
0x180: {  	v3 =	vld [tilespmem:$0x170];
	_ =	sdelay $0x4  }
0x181: {  	v55 =	vshll.u32 v3, $0x2  }
0x182: {  	v3 =	vand.u32 $0x7, v3;
	v4 =	vand.u32 $0xFFFFFFE0, v55  }
0x183: {  	v3 =	vor.u32 v3, v4  }
0x184: {  	v4 =	vperm.xlane v3, v0;
	_ =	sdelay $0x1  }
0x185: {  	v4 =	vadd.s32 v1, v4;
	_ =	sdelay $0x1  }
0x186: {  	v3 =	vperm.xlane v3, v2;
	_ =	sdelay $0x1  }
0x187: {  	v3 =	vadd.s32 v1, v3  }
0x188: {  	[tilespmem:s23], [sflag:$0x2] =	stream.indirect_vreg.gather [hbm4b:s1+s3], $0x80, v4, vm0, $0xb8;
	[tilespmem:$0x1C200] =	vst v63  }
0x189: {  	_ = 	snop  }
0x18a: {  	[tilespmem:s28], [sflag:$0x2] =	stream.indirect_vreg.gather [hbm4b:s5+s3], $0x80, v4, vm0, $0xb8;
	[tilespmem:$0x1C200] =	vst v63  }
0x18b: {  	_ = 	snop  }
0x18c: {  	[tilespmem:s25], [sflag:$0x2] =	stream.indirect_vreg.gather [hbm4b:s1+s3], $0x80, v3, vm0, $0xb8;
	[tilespmem:$0x1C200] =	vst v63  }
0x18d: {  	s26 =	simm.s32 $0x13A00  }
0x18e: {  	[tilespmem:s26], [sflag:$0x2] =	stream.indirect_vreg.gather [hbm4b:s5+s3], $0x80, v3, vm0, $0xb8;
	[tilespmem:$0x1C200] =	vst v63  }
0x18f: {  	v3 =	vld [tilespmem:$0x180];
	_ =	sdelay $0x4  }
0x190: {  	v56 =	vshll.u32 v3, $0x2  }
0x191: {  	v3 =	vand.u32 $0x7, v3;
	v4 =	vand.u32 $0xFFFFFFE0, v56  }
0x192: {  	v3 =	vor.u32 v3, v4  }
0x193: {  	v4 =	vperm.xlane v3, v0;
	_ =	sdelay $0x1  }
0x194: {  	v4 =	vadd.s32 v1, v4;
	_ =	sdelay $0x1  }
0x195: {  	v3 =	vperm.xlane v3, v2;
	_ =	sdelay $0x1  }
0x196: {  	s26 =	simm.s32 $0x14200;
	v3 =	vadd.s32 v1, v3  }
0x197: {  	[tilespmem:s26], [sflag:$0x2] =	stream.indirect_vreg.gather [hbm4b:s1+s3], $0x80, v4, vm0, $0xb8;
	[tilespmem:$0x1C200] =	vst v63  }
0x198: {  	s26 =	simm.s32 $0x14A00  }
0x199: {  	[tilespmem:s26], [sflag:$0x2] =	stream.indirect_vreg.gather [hbm4b:s5+s3], $0x80, v4, vm0, $0xb8;
	[tilespmem:$0x1C200] =	vst v63  }
0x19a: {  	s26 =	simm.s32 $0x15200  }
0x19b: {  	[tilespmem:s26], [sflag:$0x2] =	stream.indirect_vreg.gather [hbm4b:s1+s3], $0x80, v3, vm0, $0xb8;
	[tilespmem:$0x1C200] =	vst v63  }
0x19c: {  	s26 =	simm.s32 $0x15A00  }
0x19d: {  	[tilespmem:s26], [sflag:$0x2] =	stream.indirect_vreg.gather [hbm4b:s5+s3], $0x80, v3, vm0, $0xb8;
	[tilespmem:$0x1C200] =	vst v63  }
0x19e: {  	v3 =	vld [tilespmem:$0x190];
	_ =	sdelay $0x4  }
0x19f: {  	v57 =	vshll.u32 v3, $0x2  }
0x1a0: {  	v3 =	vand.u32 $0x7, v3;
	v4 =	vand.u32 $0xFFFFFFE0, v57  }
0x1a1: {  	v3 =	vor.u32 v3, v4  }
0x1a2: {  	v4 =	vperm.xlane v3, v0;
	_ =	sdelay $0x1  }
0x1a3: {  	v4 =	vadd.s32 v1, v4;
	_ =	sdelay $0x1  }
0x1a4: {  	v3 =	vperm.xlane v3, v2;
	_ =	sdelay $0x1  }
0x1a5: {  	s26 =	simm.s32 $0x16200;
	v3 =	vadd.s32 v1, v3  }
0x1a6: {  	[tilespmem:s26], [sflag:$0x2] =	stream.indirect_vreg.gather [hbm4b:s1+s3], $0x80, v4, vm0, $0xb8;
	[tilespmem:$0x1C200] =	vst v63  }
0x1a7: {  	s26 =	simm.s32 $0x16A00  }
0x1a8: {  	[tilespmem:s26], [sflag:$0x2] =	stream.indirect_vreg.gather [hbm4b:s5+s3], $0x80, v4, vm0, $0xb8;
	[tilespmem:$0x1C200] =	vst v63  }
0x1a9: {  	s26 =	simm.s32 $0x17200  }
0x1aa: {  	[tilespmem:s26], [sflag:$0x2] =	stream.indirect_vreg.gather [hbm4b:s1+s3], $0x80, v3, vm0, $0xb8;
	[tilespmem:$0x1C200] =	vst v63  }
0x1ab: {  	s26 =	simm.s32 $0x17A00  }
0x1ac: {  	[tilespmem:s26], [sflag:$0x2] =	stream.indirect_vreg.gather [hbm4b:s5+s3], $0x80, v3, vm0, $0xb8;
	[tilespmem:$0x1C200] =	vst v63  }
0x1ad: {  	v3 =	vld [tilespmem:$0x1A0];
	_ =	sdelay $0x4  }
0x1ae: {  	v58 =	vshll.u32 v3, $0x2  }
0x1af: {  	v3 =	vand.u32 $0x7, v3;
	v4 =	vand.u32 $0xFFFFFFE0, v58  }
0x1b0: {  	v3 =	vor.u32 v3, v4  }
0x1b1: {  	v4 =	vperm.xlane v3, v0;
	_ =	sdelay $0x1  }
0x1b2: {  	v4 =	vadd.s32 v1, v4;
	_ =	sdelay $0x1  }
0x1b3: {  	v3 =	vperm.xlane v3, v2;
	_ =	sdelay $0x1  }
0x1b4: {  	s26 =	simm.s32 $0x18200;
	v3 =	vadd.s32 v1, v3  }
0x1b5: {  	[tilespmem:s26], [sflag:$0x2] =	stream.indirect_vreg.gather [hbm4b:s1+s3], $0x80, v4, vm0, $0xb8;
	[tilespmem:$0x1C200] =	vst v63  }
0x1b6: {  	s26 =	simm.s32 $0x18A00  }
0x1b7: {  	[tilespmem:s26], [sflag:$0x2] =	stream.indirect_vreg.gather [hbm4b:s5+s3], $0x80, v4, vm0, $0xb8;
	[tilespmem:$0x1C200] =	vst v63  }
0x1b8: {  	s26 =	simm.s32 $0x19200  }
0x1b9: {  	[tilespmem:s26], [sflag:$0x2] =	stream.indirect_vreg.gather [hbm4b:s1+s3], $0x80, v3, vm0, $0xb8;
	[tilespmem:$0x1C200] =	vst v63  }
0x1ba: {  	s26 =	simm.s32 $0x19A00  }
0x1bb: {  	[tilespmem:s26], [sflag:$0x2] =	stream.indirect_vreg.gather [hbm4b:s5+s3], $0x80, v3, vm0, $0xb8;
	[tilespmem:$0x1C200] =	vst v63  }
0x1bc: {  	v3 =	vld [tilespmem:$0x1B0];
	_ =	sdelay $0x4  }
0x1bd: {  	v59 =	vshll.u32 v3, $0x2  }
0x1be: {  	v3 =	vand.u32 $0x7, v3;
	v4 =	vand.u32 $0xFFFFFFE0, v59  }
0x1bf: {  	v3 =	vor.u32 v3, v4  }
0x1c0: {  	v4 =	vperm.xlane v3, v0;
	_ =	sdelay $0x1  }
0x1c1: {  	v4 =	vadd.s32 v1, v4;
	_ =	sdelay $0x1  }
0x1c2: {  	v3 =	vperm.xlane v3, v2;
	_ =	sdelay $0x1  }
0x1c3: {  	s26 =	simm.s32 $0x1A200;
	v3 =	vadd.s32 v1, v3  }
0x1c4: {  	[tilespmem:s26], [sflag:$0x2] =	stream.indirect_vreg.gather [hbm4b:s1+s3], $0x80, v4, vm0, $0xb8;
	[tilespmem:$0x1C200] =	vst v63  }
0x1c5: {  	s26 =	simm.s32 $0x1AA00  }
0x1c6: {  	[tilespmem:s26], [sflag:$0x2] =	stream.indirect_vreg.gather [hbm4b:s5+s3], $0x80, v4, vm0, $0xb8;
	[tilespmem:$0x1C200] =	vst v63  }
0x1c7: {  	s26 =	simm.s32 $0x1B200  }
0x1c8: {  	[tilespmem:s26], [sflag:$0x2] =	stream.indirect_vreg.gather [hbm4b:s1+s3], $0x80, v3, vm0, $0xb8;
	[tilespmem:$0x1C200] =	vst v63  }
0x1c9: {  	s26 =	simm.s32 $0x1BA00  }
0x1ca: {  	[tilespmem:s26], [sflag:$0x2] =	stream.indirect_vreg.gather [hbm4b:s5+s3], $0x80, v3, vm0, $0xb8;
	[tilespmem:$0x1C200] =	vst v63  }
0x1cb: {  	_ =	swait.ge [sflag:s2], $0xE000  }
0x1cc: {  	[sflag:s2] =	ssyncset.done $0x0  }
0x1cd: {  	s8 =	rddreg [dreg:$0x6];
	[sflag:s2] =	ssyncadd.s32 $0xFFFF2000  }
0x1ce: {  	[hbm4b:s8+s3] =	stream.linear.scatter [tilespmem:s24], [sflag:$0x3], $0xE000, $0x38;
	[tilespmem:$0x1C200] =	vst v63  }
0x1cf: {  	_ =	swait.ge [sflag:s0], $0xE000  }
0x1d0: {  	[sflag:s0] =	ssyncset.done $0x0  }
0x1d1: {  	[sflag:s0] =	ssyncadd.s32 $0xFFFF2000  }
0x1d2: {  	v3 =	vld [tilespmem:$0x1C0];
	_ =	sdelay $0x4  }
0x1d3: {  	v60 =	vshll.u32 v3, $0x2  }
0x1d4: {  	v3 =	vand.u32 $0x7, v3;
	v4 =	vand.u32 $0xFFFFFFE0, v60  }
0x1d5: {  	v3 =	vor.u32 v3, v4  }
0x1d6: {  	v4 =	vperm.xlane v3, v0;
	_ =	sdelay $0x1  }
0x1d7: {  	v4 =	vadd.s32 v1, v4;
	_ =	sdelay $0x1  }
0x1d8: {  	v3 =	vperm.xlane v3, v2;
	_ =	sdelay $0x1  }
0x1d9: {  	v3 =	vadd.s32 v1, v3  }
0x1da: {  	[tilespmem:s24], [sflag:$0x1] =	stream.indirect_vreg.gather [hbm4b:s1+s3], $0x80, v4, vm0, $0xb8;
	[tilespmem:$0x1C200] =	vst v63  }
0x1db: {  	s26 =	simm.s32 $0xA00  }
0x1dc: {  	[tilespmem:s26], [sflag:$0x1] =	stream.indirect_vreg.gather [hbm4b:s5+s3], $0x80, v4, vm0, $0xb8;
	[tilespmem:$0x1C200] =	vst v63  }
0x1dd: {  	s26 =	simm.s32 $0x1200  }
0x1de: {  	[tilespmem:s26], [sflag:$0x1] =	stream.indirect_vreg.gather [hbm4b:s1+s3], $0x80, v3, vm0, $0xb8;
	[tilespmem:$0x1C200] =	vst v63  }
0x1df: {  	s26 =	simm.s32 $0x1A00  }
0x1e0: {  	[tilespmem:s26], [sflag:$0x1] =	stream.indirect_vreg.gather [hbm4b:s5+s3], $0x80, v3, vm0, $0xb8;
	[tilespmem:$0x1C200] =	vst v63  }
0x1e1: {  	v3 =	vld [tilespmem:$0x1D0];
	_ =	sdelay $0x4  }
0x1e2: {  	v61 =	vshll.u32 v3, $0x2  }
0x1e3: {  	v3 =	vand.u32 $0x7, v3;
	v4 =	vand.u32 $0xFFFFFFE0, v61  }
0x1e4: {  	v3 =	vor.u32 v3, v4  }
0x1e5: {  	v4 =	vperm.xlane v3, v0;
	_ =	sdelay $0x1  }
0x1e6: {  	v4 =	vadd.s32 v1, v4;
	_ =	sdelay $0x1  }
0x1e7: {  	v3 =	vperm.xlane v3, v2;
	_ =	sdelay $0x1  }
0x1e8: {  	s26 =	simm.s32 $0x2200;
	v3 =	vadd.s32 v1, v3  }
0x1e9: {  	[tilespmem:s26], [sflag:$0x1] =	stream.indirect_vreg.gather [hbm4b:s1+s3], $0x80, v4, vm0, $0xb8;
	[tilespmem:$0x1C200] =	vst v63  }
0x1ea: {  	s26 =	simm.s32 $0x2A00  }
0x1eb: {  	[tilespmem:s26], [sflag:$0x1] =	stream.indirect_vreg.gather [hbm4b:s5+s3], $0x80, v4, vm0, $0xb8;
	[tilespmem:$0x1C200] =	vst v63  }
0x1ec: {  	s26 =	simm.s32 $0x3200  }
0x1ed: {  	[tilespmem:s26], [sflag:$0x1] =	stream.indirect_vreg.gather [hbm4b:s1+s3], $0x80, v3, vm0, $0xb8;
	[tilespmem:$0x1C200] =	vst v63  }
0x1ee: {  	s26 =	simm.s32 $0x3A00  }
0x1ef: {  	[tilespmem:s26], [sflag:$0x1] =	stream.indirect_vreg.gather [hbm4b:s5+s3], $0x80, v3, vm0, $0xb8;
	[tilespmem:$0x1C200] =	vst v63  }
0x1f0: {  	v3 =	vld [tilespmem:$0x1E0];
	_ =	sdelay $0x4  }
0x1f1: {  	v62 =	vshll.u32 v3, $0x2  }
0x1f2: {  	v3 =	vand.u32 $0x7, v3;
	v4 =	vand.u32 $0xFFFFFFE0, v62  }
0x1f3: {  	v3 =	vor.u32 v3, v4  }
0x1f4: {  	v4 =	vperm.xlane v3, v0;
	_ =	sdelay $0x1  }
0x1f5: {  	v4 =	vadd.s32 v1, v4;
	_ =	sdelay $0x1  }
0x1f6: {  	v3 =	vperm.xlane v3, v2;
	_ =	sdelay $0x1  }
0x1f7: {  	s26 =	simm.s32 $0x4200;
	v3 =	vadd.s32 v1, v3  }
0x1f8: {  	[tilespmem:s26], [sflag:$0x1] =	stream.indirect_vreg.gather [hbm4b:s1+s3], $0x80, v4, vm0, $0xb8;
	[tilespmem:$0x1C200] =	vst v63  }
0x1f9: {  	s26 =	simm.s32 $0x4A00  }
0x1fa: {  	[tilespmem:s26], [sflag:$0x1] =	stream.indirect_vreg.gather [hbm4b:s5+s3], $0x80, v4, vm0, $0xb8;
	[tilespmem:$0x1C200] =	vst v63  }
0x1fb: {  	s26 =	simm.s32 $0x5200  }
0x1fc: {  	[tilespmem:s26], [sflag:$0x1] =	stream.indirect_vreg.gather [hbm4b:s1+s3], $0x80, v3, vm0, $0xb8;
	[tilespmem:$0x1C200] =	vst v63  }
0x1fd: {  	s26 =	simm.s32 $0x5A00  }
0x1fe: {  	[tilespmem:s26], [sflag:$0x1] =	stream.indirect_vreg.gather [hbm4b:s5+s3], $0x80, v3, vm0, $0xb8;
	[tilespmem:$0x1C200] =	vst v63  }
0x1ff: {  	v3 =	vld [tilespmem:$0x1F0];
	_ =	sdelay $0x4  }
0x200: {  	v63 =	vshll.u32 v3, $0x2  }
0x201: {  	v3 =	vand.u32 $0x7, v3;
	v4 =	vand.u32 $0xFFFFFFE0, v63  }
0x202: {  	v3 =	vor.u32 v3, v4  }
0x203: {  	v4 =	vperm.xlane v3, v0;
	_ =	sdelay $0x1  }
0x204: {  	v4 =	vadd.s32 v1, v4;
	_ =	sdelay $0x1  }
0x205: {  	v3 =	vperm.xlane v3, v2;
	_ =	sdelay $0x1  }
0x206: {  	s26 =	simm.s32 $0x6200;
	v3 =	vadd.s32 v1, v3  }
0x207: {  	[tilespmem:s26], [sflag:$0x1] =	stream.indirect_vreg.gather [hbm4b:s1+s3], $0x80, v4, vm0, $0xb8;
	[tilespmem:$0x1C200] =	vst v63  }
0x208: {  	s26 =	simm.s32 $0x6A00  }
0x209: {  	[tilespmem:s26], [sflag:$0x1] =	stream.indirect_vreg.gather [hbm4b:s5+s3], $0x80, v4, vm0, $0xb8;
	[tilespmem:$0x1C200] =	vst v63  }
0x20a: {  	s26 =	simm.s32 $0x7200  }
0x20b: {  	[tilespmem:s26], [sflag:$0x1] =	stream.indirect_vreg.gather [hbm4b:s1+s3], $0x80, v3, vm0, $0xb8;
	[tilespmem:$0x1C200] =	vst v63  }
0x20c: {  	s29 =	simm.s32 $0x7A00  }
0x20d: {  	[tilespmem:s29], [sflag:$0x1] =	stream.indirect_vreg.gather [hbm4b:s5+s3], $0x80, v3, vm0, $0xb8;
	[tilespmem:$0x1C200] =	vst v63  }
0x20e: {  	_ =	swait.ge [sflag:s4], $0xE000  }
0x20f: {  	[sflag:s4] =	ssyncset.done $0x0  }
0x210: {  	s8 =	rddreg [dreg:$0x7];
	[sflag:s4] =	ssyncadd.s32 $0xFFFF2000  }
0x211: {  	[hbm4b:s8+s3] =	stream.linear.scatter [tilespmem:s15], [sflag:$0x4], $0xE000, $0x38;
	[tilespmem:$0x1C200] =	vst v63  }
0x212: {  	_ =	swait.ge [sflag:s2], $0x8000  }
0x213: {  	[sflag:s2] =	ssyncset.done $0x0  }
0x214: {  	s29 =	rddreg [dreg:$0x8];
	[sflag:s2] =	ssyncadd.s32 $0xFFFF8000  }
0x215: {  	[hbm4b:s29+s3] =	stream.linear.scatter [tilespmem:s24], [sflag:$0x3], $0x8000, $0x38;
	[tilespmem:$0x1C200] =	vst v63  }
0x216: {  	p0 =	sne.s32 s6, $0x1;
	_ =	swait.ge [sflag:s7], $0xE000  }
.Ltmp0:
0x217: {  	[sflag:s7] =	ssyncset.done $0x0;
	(pc) =	sbr.rel @p0 .LBB2_1-.Ltmp0, $4  }
0x218: {  	[sflag:s7] =	ssyncadd.s32 $0xFFFF2000  }
0x219: {  	_ =	swait.ge [sflag:s0], $0x8000  }
0x21a: {  	[sflag:s0] =	ssyncset.done $0x0  }
0x21b: {  	s6 =	sadd.s32 $0xFFFFFFFF, s6;
	[sflag:s0] =	ssyncadd.s32 $0xFFFF8000  }
0x21c: {  	_ =	sfence.sel $0x180000  }
0x21d: {  	[bflag:$0x0] =	sbarrier.arrive $0xFFFF  }
0x21e: {  	_ =	strace $0x90000047  }
0x21f: {  	s0 =	stileid.u32;
	[bflag:$0x2] =	sbarrier.arrive $0xFFFF  }
0x220: {  	p0 =	sne.s32 s0, $0x0;
	s0 =	rddreg [dreg:$0x3]  }
0x221: {  	s0 =	sadd.s32 @!p0 $0x100000, s0  }
0x222: {  	[sflag:s0] =	ssyncadd.tile.s32 @!p0 $0x1;
	_ =	shalt  }
.Lfunc_end2:
_tile_overlayer_lowered:
.L_overlay_start_2:
0x223: {  	(tag) =	ssettag $0x2  }
0x224: {  	s0 =	rddreg [dreg:$0x0];
	s2 =	stileid.u32  }
0x225: {  	s1 =	rddreg [dreg:$0x1];
	p0 =	sne.s32 s2, $0x0  }
0x226: {  	s3 =	rddreg [dreg:$0x2];
	[bflag:$0x3] =	sbarrier.arrive $0xFFFF;
	s2 =	simm.s32 @!p0 $0x1C05  }
0x227: {  	[timem:s3], [sflag:s2] =	dma.local @!p0 [hbm:s0], s1  }
0x228: {  	s0 =	simm.s32 @!p0 $0x5  }
0x229: {  	_ =	swait.ge @!p0 [sflag:s0], s1  }
0x22a: {  	s1 =	ssub.s32 @!p0 $0x0, s1;
	[sflag:s0] =	ssyncset.done @!p0 $0x0  }
0x22b: {  	[sflag:s0] =	ssyncadd.s32 @!p0 s1  }
0x22c: {  	[bflag:$0x3] =	sbarrier.arrive $0xFFFF  }
0x22d: {  	_ =	shalt  }

</sc_bundles>
